<compile_context>
chip_gen: v7x
topology: tpu7x:2x2x1
jax: 0.10.2.dev20260603
libtpu: 0.0.44.dev20260713+nightly
codegen_flags: <defaults>
</compile_context>

<pallas_src>
import functools

import jax
import jax.numpy as jnp
from jax import lax
from jax.experimental import pallas as pl
from jax.experimental.pallas import tpu as pltpu
from jax.experimental.pallas import tpu_sc as plsc

_K = 16
_GROUPS = 32
_EPS = 1e-5
_HI = lax.Precision.HIGHEST

_NWORK = 32
_IDX_LANE = 128


def _xy_dot(xt, xf):
    return lax.dot_general(xt.astype(jnp.bfloat16), xf.astype(jnp.bfloat16),
                           (((1,), (1,)), ((), ())),
                           preferred_element_type=jnp.float32)


def _knn_uv_kernel(xt_ref, xf_ref, w1a_ref, wv_ref, b1_ref,
                   idx_ref, u_ref, v_ref, x2f_ref):
    bi = pl.program_id(0)
    ri = pl.program_id(1)
    xt = xt_ref[0]
    xf = xf_ref[0]
    tr, d = xt.shape
    n = xf.shape[0]

    @pl.when(ri == 0)
    def _():
        ones_row = jnp.ones((8, d), dtype=jnp.float32)
        x2f_ref[...] = lax.dot_general(ones_row, xf * xf,
                                       (((1,), (1,)), ((), ())),
                                       preferred_element_type=jnp.float32,
                                       precision=_HI)

    xy = _xy_dot(xt, xf)
    x2t = jnp.sum(xt * xt, axis=1, keepdims=True)
    x2f = x2f_ref[0:1]
    dist = x2t + x2f - 2.0 * xy

    inf = jnp.float32(jnp.inf)

    nch = n // 128
    v0 = jnp.full((tr, 128), inf, jnp.float32)
    v1, v2 = v0, v0
    z = jnp.zeros((tr, 128), jnp.int32)
    c0, c1, c2 = z, z, z
    for ch in range(nch):
        x_ = dist[:, ch * 128:(ch + 1) * 128]
        lt0 = x_ < v0
        lt1 = x_ < v1
        lt2 = x_ < v2
        v2 = jnp.where(lt2, jnp.where(lt1, v1, x_), v2)
        c2 = jnp.where(lt2, jnp.where(lt1, c1, ch), c2)
        v1 = jnp.where(lt1, jnp.where(lt0, v0, x_), v1)
        c1 = jnp.where(lt1, jnp.where(lt0, c0, ch), c1)
        v0 = jnp.where(lt0, x_, v0)
        c0 = jnp.where(lt0, ch, c0)

    lanes = lax.broadcasted_iota(jnp.int32, (tr, 128), 1)
    tc0 = (c0 * 128 + lanes).astype(jnp.float32)
    tc1 = (c1 * 128 + lanes).astype(jnp.float32)
    tc2 = (c2 * 128 + lanes).astype(jnp.float32)
    nf = jnp.float32(n)

    rgf = (lax.broadcasted_iota(jnp.int32, (tr, 128), 0)
           + ri * tr).astype(jnp.float32)
    hit = tc0 == rgf
    v0 = jnp.where(hit, v1, v0)
    tc0 = jnp.where(hit, tc1, tc0)
    v1 = jnp.where(hit, v2, v1)
    tc1 = jnp.where(hit, tc2, tc1)
    v2 = jnp.where(hit, inf, v2)

    outs = []
    for _ in range(_K):
        m = jnp.min(v0, axis=1, keepdims=True)
        am = jnp.min(jnp.where(v0 == m, tc0, nf),
                     axis=1, keepdims=True)
        outs.append(am)
        hit = tc0 == am
        v0 = jnp.where(hit, v1, v0)
        tc0 = jnp.where(hit, tc1, tc0)
        v1 = jnp.where(hit, v2, v1)
        tc1 = jnp.where(hit, tc2, tc1)
        v2 = jnp.where(hit, inf, v2)
    idx = jnp.concatenate(outs, axis=1).astype(jnp.int32)
    idx_ref[0] = idx + bi * n

    u_ref[0] = lax.dot_general(xt, w1a_ref[...], (((1,), (0,)), ((), ())),
                               preferred_element_type=jnp.float32)
    v_ref[0] = lax.dot_general(xt, wv_ref[...], (((1,), (0,)), ((), ())),
                               preferred_element_type=jnp.float32) + b1_ref[0:1, :]


def _gather_rows(u_flat, idx_rows, rows_per_worker):
    total, c = u_flat.shape
    n_edges = _NWORK * rows_per_worker * _IDX_LANE
    rpw = rows_per_worker
    mesh = plsc.VectorSubcoreMesh(core_axis_name="c", subcore_axis_name="s")

    @functools.partial(
        pl.kernel, mesh=mesh,
        out_type=jax.ShapeDtypeStruct((n_edges, c), jnp.float32),
        scratch_types=[
            pltpu.VMEM((rpw, _IDX_LANE), jnp.int32),
            pltpu.VMEM((_IDX_LANE, c), jnp.float32),
            pltpu.VMEM((_IDX_LANE, c), jnp.float32),
            pltpu.VMEM((_IDX_LANE, c), jnp.float32),
            pltpu.VMEM((_IDX_LANE, c), jnp.float32),
            pltpu.SemaphoreType.DMA,
            pltpu.SemaphoreType.DMA,
            pltpu.SemaphoreType.DMA,
            pltpu.SemaphoreType.DMA,
        ],
    )
    def gk(u_hbm, idx_hbm, out_hbm, idx_v,
           row0, row1, row2, row3, sem0, sem1, sem2, sem3):
        wid = lax.axis_index("s") * 2 + lax.axis_index("c")
        base = wid * rpw * _IDX_LANE
        rows = (row0, row1, row2, row3)
        sems = (sem0, sem1, sem2, sem3)
        pltpu.sync_copy(idx_hbm.at[wid], idx_v)
        for j0 in range(3):
            if j0 < rpw:
                pltpu.async_copy(u_hbm.at[idx_v.at[j0]], rows[j0], sems[j0])

        def step(j, s):
            pltpu.make_async_copy(u_hbm.at[idx_v.at[j]], rows[s],
                                  sems[s]).wait()

            @pl.when(j + 3 < rpw)
            def _():
                ns = (s + 3) % 4
                pltpu.async_copy(u_hbm.at[idx_v.at[j + 3]], rows[ns],
                                 sems[ns])

            pltpu.sync_copy(rows[s], out_hbm.at[pl.ds(base + j * _IDX_LANE,
                                                      _IDX_LANE)])

        def body(j, carry):
            for s in range(4):
                @pl.when((j & 3) == s)
                def _(j=j, s=s):
                    step(j, s)
            return carry

        lax.fori_loop(0, rpw, body, 0)

    return gk(u_flat, idx_rows)


def _edge_mlp_kernel(g_ref, v_ref, gm_ref, w2_ref, gamma_ref, beta_ref,
                     b2_ref, out_ref):
    g = g_ref[0]
    v = v_ref[0]
    tr2, c = v.shape
    vb = jnp.broadcast_to(v[:, None, :], (tr2, _K, c)).reshape(tr2 * _K, c)
    h = g + vb

    gm = gm_ref[...]
    mean = lax.dot_general(h, gm, (((1,), (0,)), ((), ())),
                           preferred_element_type=jnp.float32)
    hc = h - mean
    var = lax.dot_general(hc * hc, gm, (((1,), (0,)), ((), ())),
                          preferred_element_type=jnp.float32)
    hn = hc * lax.rsqrt(var + _EPS)
    hn = hn * gamma_ref[0:1, :] + beta_ref[0:1, :]
    hr = jnp.maximum(hn, 0.0)
    o = lax.dot_general(hr, w2_ref[...], (((1,), (0,)), ((), ())),
                        preferred_element_type=jnp.float32) + b2_ref[0:1, :]
    o3 = o.reshape(tr2, _K, c)
    acc = o3[:, 0, :]
    for kk in range(1, _K):
        acc = jnp.maximum(acc, o3[:, kk, :])
    out_ref[0] = acc


def kernel(x, mask, W1, b1, gamma, beta, W2, b2):
    b, n, d = x.shape
    c = W2.shape[0]
    w1a = W1[:d]
    wv = W1[d:] - w1a
    b1r = jnp.broadcast_to(b1.reshape(1, c), (8, c))
    gammar = jnp.broadcast_to(gamma.reshape(1, c), (8, c))
    betar = jnp.broadcast_to(beta.reshape(1, c), (8, c))
    b2r = jnp.broadcast_to(b2.reshape(1, c), (8, c))
    gs = c // _GROUPS
    gm = jnp.kron(jnp.eye(_GROUPS, dtype=jnp.float32),
                  jnp.full((gs, gs), 1.0 / gs, dtype=jnp.float32))

    tr = 256
    idx, u, v = pl.pallas_call(
        _knn_uv_kernel,
        grid=(b, n // tr),
        in_specs=[
            pl.BlockSpec((1, tr, d), lambda bi, ri: (bi, ri, 0)),
            pl.BlockSpec((1, n, d), lambda bi, ri: (bi, 0, 0)),
            pl.BlockSpec((d, c), lambda bi, ri: (0, 0)),
            pl.BlockSpec((d, c), lambda bi, ri: (0, 0)),
            pl.BlockSpec((8, c), lambda bi, ri: (0, 0)),
        ],
        out_specs=[
            pl.BlockSpec((1, tr, _K), lambda bi, ri: (bi, ri, 0)),
            pl.BlockSpec((1, tr, c), lambda bi, ri: (bi, ri, 0)),
            pl.BlockSpec((1, tr, c), lambda bi, ri: (bi, ri, 0)),
        ],
        out_shape=[
            jax.ShapeDtypeStruct((b, n, _K), jnp.int32),
            jax.ShapeDtypeStruct((b, n, c), jnp.float32),
            jax.ShapeDtypeStruct((b, n, c), jnp.float32),
        ],
        scratch_shapes=[pltpu.VMEM((8, n), jnp.float32)],
    )(x, x, w1a, wv, b1r)

    n_edges = b * n * _K
    rpw = n_edges // (_NWORK * _IDX_LANE)
    idx_rows = idx.reshape(_NWORK, rpw, _IDX_LANE)
    g = _gather_rows(u.reshape(b * n, c), idx_rows, rpw)

    tr2 = 256
    out = pl.pallas_call(
        _edge_mlp_kernel,
        grid=(b, n // tr2),
        in_specs=[
            pl.BlockSpec((1, tr2 * _K, c), lambda bi, ri: (bi, ri, 0)),
            pl.BlockSpec((1, tr2, c), lambda bi, ri: (bi, ri, 0)),
            pl.BlockSpec((c, c), lambda bi, ri: (0, 0)),
            pl.BlockSpec((c, c), lambda bi, ri: (0, 0)),
            pl.BlockSpec((8, c), lambda bi, ri: (0, 0)),
            pl.BlockSpec((8, c), lambda bi, ri: (0, 0)),
            pl.BlockSpec((8, c), lambda bi, ri: (0, 0)),
        ],
        out_specs=pl.BlockSpec((1, tr2, c), lambda bi, ri: (bi, ri, 0)),
        out_shape=jax.ShapeDtypeStruct((b, n, c), jnp.float32),
    )(g.reshape(b, n * _K, c), v, gm, W2, gammar, betar, b2r)
    return out

# --- scband reference (transcript-rebuilt; emitter-appended) ---
"""Pipeline reference for scband-edge-conv-block-44693429682215 (READ-ONLY COPY).

The authoritative reference and input builder live on the scoring server;
editing this copy changes nothing except your own understanding.
"""

import jax, jax.numpy as jnp
import numpy as np

B, N, D, K, C = 4, 4096, 128, 16, 128


def setup_inputs(seed: int = 0) -> dict:
    key = jax.random.key(seed)
    k1, k2, k3 = jax.random.split(key, 3)
    x = jax.random.normal(k1, (B, N, D), dtype=jnp.float32)
    mask = jnp.ones((B, N), dtype=bool)
    # MLP([2*D, C, C]) with GroupNorm after first linear
    W1 = jax.random.normal(k2, (2 * D, C), dtype=jnp.float32) * 0.05
    b1 = jnp.zeros((C,), dtype=jnp.float32)
    gamma = jnp.ones((C,), dtype=jnp.float32)
    beta = jnp.zeros((C,), dtype=jnp.float32)
    W2 = jax.random.normal(k3, (C, C), dtype=jnp.float32) * 0.05
    b2 = jnp.zeros((C,), dtype=jnp.float32)
    return {"x": x, "mask": mask, "W1": W1, "b1": b1, "gamma": gamma,
            "beta": beta, "W2": W2, "b2": b2}


def _group_norm(h, gamma, beta, num_groups=32, eps=1e-5):
    M, Ch = h.shape
    hr = h.reshape(M, num_groups, Ch // num_groups)
    mean = hr.mean(axis=-1, keepdims=True)
    var = hr.var(axis=-1, keepdims=True)
    hn = (hr - mean) / jnp.sqrt(var + eps)
    return hn.reshape(M, Ch) * gamma + beta


def _knn_idx(feat, mask, k):
    b, n, _ = feat.shape
    x2 = (feat ** 2).sum(axis=-1, keepdims=True)
    y2 = jnp.swapaxes(x2, 1, 2)
    xy = feat @ jnp.swapaxes(feat, 1, 2)
    dist2 = x2 + y2 - 2.0 * xy
    dist2 = jnp.maximum(dist2, 0.0)
    valid = mask[:, :, None] & mask[:, None, :]
    dist2 = jnp.where(valid, dist2, jnp.inf)
    eye = jnp.eye(n, dtype=bool)[None, :, :]
    dist2 = jnp.where(eye, jnp.inf, dist2)
    # mask is all-valid so k_eff == k (min valid count - 1 = N-1 >= k)
    _, idx = jax.lax.top_k(-dist2, k)
    return idx


def reference(x, mask, W1, b1, gamma, beta, W2, b2):
    b, n, d = x.shape
    k = K
    idx = _knn_idx(x, mask, k)
    x_neighbors = jnp.take_along_axis(x, idx.reshape(b, n * k, 1), axis=1)
    x_neighbors = x_neighbors.reshape(b, n, k, d)
    x_center = jnp.broadcast_to(x[:, :, None, :], (b, n, k, d))
    edge_feat = jnp.concatenate([x_neighbors - x_center, x_center], axis=-1)
    edge_flat = edge_feat.reshape(b * n * k, 2 * d)
    h = edge_flat @ W1 + b1
    h = _group_norm(h, gamma, beta)
    h = jax.nn.relu(h)
    h = h @ W2 + b2
    out = h.reshape(b, n, k, -1).max(axis=2)
    out = out * mask[:, :, None].astype(out.dtype)
    return out

if __name__ == "__main__":
    import jax
    _d = setup_inputs()
    print(jax.jit(kernel)(*tuple(_d.values())))

</pallas_src>

<mosaic_0001>
#map = affine_map<(d0, d1) -> (0, 0)>
#map1 = affine_map<(d0, d1) -> (0, 0, 0)>
module attributes {stable_mosaic.version = 14 : i64} {
  func.func @gk(%arg0: i32, %arg1: i32, %arg2: memref<16384x128xf32, #tpu.memory_space<hbm>>, %arg3: memref<32x64x128xi32, #tpu.memory_space<hbm>>, %arg4: memref<262144x128xf32, #tpu.memory_space<hbm>>, %arg5: memref<64x128xi32, #tpu.memory_space<vmem>>, %arg6: memref<128x128xf32, #tpu.memory_space<vmem>>, %arg7: memref<128x128xf32, #tpu.memory_space<vmem>>, %arg8: memref<128x128xf32, #tpu.memory_space<vmem>>, %arg9: memref<128x128xf32, #tpu.memory_space<vmem>>, %arg10: memref<!tpu.dma_semaphore, #tpu.memory_space<semaphore_mem>>, %arg11: memref<!tpu.dma_semaphore, #tpu.memory_space<semaphore_mem>>, %arg12: memref<!tpu.dma_semaphore, #tpu.memory_space<semaphore_mem>>, %arg13: memref<!tpu.dma_semaphore, #tpu.memory_space<semaphore_mem>>) attributes {dimension_semantics = [#tpu.dimension_semantics<core_parallel>, #tpu.dimension_semantics<subcore_parallel>], iteration_bounds = array<i64: 2, 16>, scalar_prefetch = 0 : i64, scratch_operands = 9 : i64, tpu.core_type = #tpu.core_type<sc_vector_subcore>, window_params = [{transform_indices = #map}, {transform_indices = #map1}, {transform_indices = #map}]} {
    %mul3A = arith.constant 2 : i32
    %mul3A_0 = arith.muli %arg1, %mul3A : i32
    %add3A = arith.addi %mul3A_0, %arg0 : i32
    %mul3A_1 = arith.constant 64 : i32
    %mul3A_2 = arith.muli %add3A, %mul3A_1 : i32
    %mul3A_3 = arith.constant 128 : i32
    %mul3A_4 = arith.muli %mul3A_2, %mul3A_3 : i32
    "tpu.region"() ({
      %run_scoped3A = tpu.sem_alloc : memref<!tpu.dma_semaphore, #tpu.memory_space<semaphore_mem>>
      %dma_start3A_30 = arith.constant 0 : i32
      %dma_start3A_31 = arith.constant 0 : i32
      %dma_start3A_32 = tpu.memref_slice %arg3[%add3A, %dma_start3A_30, %dma_start3A_31] : memref<32x64x128xi32, #tpu.memory_space<hbm>> -> memref<1x64x128xi32, #tpu.memory_space<hbm>>
      %dma_start3A_33 = tpu.memref_squeeze %dma_start3A_32 : memref<1x64x128xi32, #tpu.memory_space<hbm>> -> memref<64x128xi32, #tpu.memory_space<hbm>>
      %dma_start3A_34 = arith.constant 0 : i32
      %dma_start3A_35 = arith.constant 0 : i32
      %dma_start3A_36 = tpu.memref_slice %arg3[%add3A, %dma_start3A_34, %dma_start3A_35] : memref<32x64x128xi32, #tpu.memory_space<hbm>> -> memref<1x64x128xi32, #tpu.memory_space<hbm>>
      %dma_start3A_37 = tpu.memref_squeeze %dma_start3A_36 : memref<1x64x128xi32, #tpu.memory_space<hbm>> -> memref<64x128xi32, #tpu.memory_space<hbm>>
      tpu.enqueue_dma source(%dma_start3A_37 : memref<64x128xi32, #tpu.memory_space<hbm>>) target(%arg5 : memref<64x128xi32, #tpu.memory_space<vmem>>) target_semaphore(%run_scoped3A : memref<!tpu.dma_semaphore, #tpu.memory_space<semaphore_mem>>)
      %dma_wait3A = arith.constant 0 : i32
      %dma_wait3A_38 = arith.constant 0 : i32
      %dma_wait3A_39 = tpu.memref_slice %arg3[%add3A, %dma_wait3A, %dma_wait3A_38] : memref<32x64x128xi32, #tpu.memory_space<hbm>> -> memref<1x64x128xi32, #tpu.memory_space<hbm>>
      %dma_wait3A_40 = tpu.memref_squeeze %dma_wait3A_39 : memref<1x64x128xi32, #tpu.memory_space<hbm>> -> memref<64x128xi32, #tpu.memory_space<hbm>>
      %dma_wait3A_41 = arith.constant 0 : i32
      %dma_wait3A_42 = arith.constant 0 : i32
      %dma_wait3A_43 = tpu.memref_slice %arg3[%add3A, %dma_wait3A_41, %dma_wait3A_42] : memref<32x64x128xi32, #tpu.memory_space<hbm>> -> memref<1x64x128xi32, #tpu.memory_space<hbm>>
      %dma_wait3A_44 = tpu.memref_squeeze %dma_wait3A_43 : memref<1x64x128xi32, #tpu.memory_space<hbm>> -> memref<64x128xi32, #tpu.memory_space<hbm>>
      tpu.wait_dma2 semaphore(%run_scoped3A : memref<!tpu.dma_semaphore, #tpu.memory_space<semaphore_mem>>) src(%dma_wait3A_44 : memref<64x128xi32, #tpu.memory_space<hbm>>) dst(%arg5 : memref<64x128xi32, #tpu.memory_space<vmem>>)
      tpu.yield
    }) : () -> ()
    %dma_start3A = arith.constant 0 : i32
    %dma_start3A_5 = arith.constant 0 : i32
    %dma_start3A_6 = tpu.memref_slice %arg5[%dma_start3A, %dma_start3A_5] : memref<64x128xi32, #tpu.memory_space<vmem>> -> memref<1x128xi32, #tpu.memory_space<vmem>>
    %dma_start3A_7 = tpu.memref_squeeze %dma_start3A_6 : memref<1x128xi32, #tpu.memory_space<vmem>> -> memref<128xi32, #tpu.memory_space<vmem>>
    %dma_start3A_8 = arith.constant 0 : i32
    %dma_start3A_9 = arith.constant 0 : i32
    %dma_start3A_10 = tpu.memref_slice %arg2[%dma_start3A_8, %dma_start3A_9] : memref<16384x128xf32, #tpu.memory_space<hbm>> -> memref<16384x128xf32, #tpu.memory_space<hbm>>
    tpu.enqueue_indirect_dma source(%dma_start3A_10 : memref<16384x128xf32, #tpu.memory_space<hbm>>) target(%arg6 : memref<128x128xf32, #tpu.memory_space<vmem>>) offsets(%dma_start3A_7 : memref<128xi32, #tpu.memory_space<vmem>>) semaphore(%arg10 : memref<!tpu.dma_semaphore, #tpu.memory_space<semaphore_mem>>)
    %dma_start3A_11 = arith.constant 1 : i32
    %dma_start3A_12 = arith.constant 0 : i32
    %dma_start3A_13 = tpu.memref_slice %arg5[%dma_start3A_11, %dma_start3A_12] : memref<64x128xi32, #tpu.memory_space<vmem>> -> memref<1x128xi32, #tpu.memory_space<vmem>>
    %dma_start3A_14 = tpu.memref_squeeze %dma_start3A_13 : memref<1x128xi32, #tpu.memory_space<vmem>> -> memref<128xi32, #tpu.memory_space<vmem>>
    %dma_start3A_15 = arith.constant 0 : i32
    %dma_start3A_16 = arith.constant 0 : i32
    %dma_start3A_17 = tpu.memref_slice %arg2[%dma_start3A_15, %dma_start3A_16] : memref<16384x128xf32, #tpu.memory_space<hbm>> -> memref<16384x128xf32, #tpu.memory_space<hbm>>
    tpu.enqueue_indirect_dma source(%dma_start3A_17 : memref<16384x128xf32, #tpu.memory_space<hbm>>) target(%arg7 : memref<128x128xf32, #tpu.memory_space<vmem>>) offsets(%dma_start3A_14 : memref<128xi32, #tpu.memory_space<vmem>>) semaphore(%arg11 : memref<!tpu.dma_semaphore, #tpu.memory_space<semaphore_mem>>)
    %dma_start3A_18 = arith.constant 2 : i32
    %dma_start3A_19 = arith.constant 0 : i32
    %dma_start3A_20 = tpu.memref_slice %arg5[%dma_start3A_18, %dma_start3A_19] : memref<64x128xi32, #tpu.memory_space<vmem>> -> memref<1x128xi32, #tpu.memory_space<vmem>>
    %dma_start3A_21 = tpu.memref_squeeze %dma_start3A_20 : memref<1x128xi32, #tpu.memory_space<vmem>> -> memref<128xi32, #tpu.memory_space<vmem>>
    %dma_start3A_22 = arith.constant 0 : i32
    %dma_start3A_23 = arith.constant 0 : i32
    %dma_start3A_24 = tpu.memref_slice %arg2[%dma_start3A_22, %dma_start3A_23] : memref<16384x128xf32, #tpu.memory_space<hbm>> -> memref<16384x128xf32, #tpu.memory_space<hbm>>
    tpu.enqueue_indirect_dma source(%dma_start3A_24 : memref<16384x128xf32, #tpu.memory_space<hbm>>) target(%arg8 : memref<128x128xf32, #tpu.memory_space<vmem>>) offsets(%dma_start3A_21 : memref<128xi32, #tpu.memory_space<vmem>>) semaphore(%arg12 : memref<!tpu.dma_semaphore, #tpu.memory_space<semaphore_mem>>)
    %scan3A = arith.constant 0 : i32
    %scan3A_25 = arith.constant 0 : i32
    %scan3A_26 = arith.constant 64 : i32
    %scan3A_27 = arith.addi %scan3A_25, %scan3A_26 : i32
    %scan3A_28 = arith.constant 1 : i32
    scf.for %scan3A_30 = %scan3A_25 to %scan3A_27 step %scan3A_28  : i32 {
      %and3A = arith.constant 3 : i32
      %and3A_31 = arith.andi %scan3A_30, %and3A : i32
      %eq3A = arith.constant 0 : i32
      %eq3A_32 = arith.cmpi eq, %and3A_31, %eq3A : i32
      %convert_element_type3A = arith.extui %eq3A_32 : i1 to i32
      %cond3A = arith.constant 0 : i32
      %cond3A_33 = arith.cmpi ne, %convert_element_type3A, %cond3A : i32
      scf.if %cond3A_33 {
        %dma_wait3A = arith.constant 0 : i32
        %dma_wait3A_55 = tpu.memref_slice %arg5[%scan3A_30, %dma_wait3A] : memref<64x128xi32, #tpu.memory_space<vmem>> -> memref<1x128xi32, #tpu.memory_space<vmem>>
        %dma_wait3A_56 = tpu.memref_squeeze %dma_wait3A_55 : memref<1x128xi32, #tpu.memory_space<vmem>> -> memref<128xi32, #tpu.memory_space<vmem>>
        %dma_wait3A_57 = arith.constant 0 : i32
        %dma_wait3A_58 = arith.constant 0 : i32
        %dma_wait3A_59 = tpu.memref_slice %arg2[%dma_wait3A_57, %dma_wait3A_58] : memref<16384x128xf32, #tpu.memory_space<hbm>> -> memref<16384x128xf32, #tpu.memory_space<hbm>>
        tpu.wait_indirect_dma semaphore(%arg10 : memref<!tpu.dma_semaphore, #tpu.memory_space<semaphore_mem>>) src(%dma_wait3A_59 : memref<16384x128xf32, #tpu.memory_space<hbm>>) dst(%arg6 : memref<128x128xf32, #tpu.memory_space<vmem>>)
        %add3A_60 = arith.constant 3 : i32
        %add3A_61 = arith.addi %scan3A_30, %add3A_60 : i32
        %lt3A = arith.constant 64 : i32
        %lt3A_62 = arith.cmpi slt, %add3A_61, %lt3A : i32
        %convert_element_type3A_63 = arith.extui %lt3A_62 : i1 to i32
        %cond3A_64 = arith.constant 0 : i32
        %cond3A_65 = arith.cmpi ne, %convert_element_type3A_63, %cond3A_64 : i32
        scf.if %cond3A_65 {
          %add3A_69 = arith.constant 3 : i32
          %add3A_70 = arith.addi %scan3A_30, %add3A_69 : i32
          %dma_start3A_71 = arith.constant 0 : i32
          %dma_start3A_72 = tpu.memref_slice %arg5[%add3A_70, %dma_start3A_71] : memref<64x128xi32, #tpu.memory_space<vmem>> -> memref<1x128xi32, #tpu.memory_space<vmem>>
          %dma_start3A_73 = tpu.memref_squeeze %dma_start3A_72 : memref<1x128xi32, #tpu.memory_space<vmem>> -> memref<128xi32, #tpu.memory_space<vmem>>
          %dma_start3A_74 = arith.constant 0 : i32
          %dma_start3A_75 = arith.constant 0 : i32
          %dma_start3A_76 = tpu.memref_slice %arg2[%dma_start3A_74, %dma_start3A_75] : memref<16384x128xf32, #tpu.memory_space<hbm>> -> memref<16384x128xf32, #tpu.memory_space<hbm>>
          tpu.enqueue_indirect_dma source(%dma_start3A_76 : memref<16384x128xf32, #tpu.memory_space<hbm>>) target(%arg9 : memref<128x128xf32, #tpu.memory_space<vmem>>) offsets(%dma_start3A_73 : memref<128xi32, #tpu.memory_space<vmem>>) semaphore(%arg13 : memref<!tpu.dma_semaphore, #tpu.memory_space<semaphore_mem>>)
        } else {
        }
        %mul3A_66 = arith.constant 128 : i32
        %mul3A_67 = arith.muli %scan3A_30, %mul3A_66 : i32
        %add3A_68 = arith.addi %mul3A_4, %mul3A_67 : i32
        "tpu.region"() ({
          %run_scoped3A = tpu.sem_alloc : memref<!tpu.dma_semaphore, #tpu.memory_space<semaphore_mem>>
          %dma_start3A_69 = arith.constant 0 : i32
          %dma_start3A_70 = tpu.memref_slice %arg4[%add3A_68, %dma_start3A_69] : memref<262144x128xf32, #tpu.memory_space<hbm>> -> memref<128x128xf32, #tpu.memory_space<hbm>>
          %dma_start3A_71 = arith.constant 0 : i32
          %dma_start3A_72 = tpu.memref_slice %arg4[%add3A_68, %dma_start3A_71] : memref<262144x128xf32, #tpu.memory_space<hbm>> -> memref<128x128xf32, #tpu.memory_space<hbm>>
          tpu.enqueue_dma source(%arg6 : memref<128x128xf32, #tpu.memory_space<vmem>>) target(%dma_start3A_72 : memref<128x128xf32, #tpu.memory_space<hbm>>) target_semaphore(%run_scoped3A : memref<!tpu.dma_semaphore, #tpu.memory_space<semaphore_mem>>)
          %dma_wait3A_73 = arith.constant 0 : i32
          %dma_wait3A_74 = tpu.memref_slice %arg4[%add3A_68, %dma_wait3A_73] : memref<262144x128xf32, #tpu.memory_space<hbm>> -> memref<128x128xf32, #tpu.memory_space<hbm>>
          %dma_wait3A_75 = arith.constant 0 : i32
          %dma_wait3A_76 = tpu.memref_slice %arg4[%add3A_68, %dma_wait3A_75] : memref<262144x128xf32, #tpu.memory_space<hbm>> -> memref<128x128xf32, #tpu.memory_space<hbm>>
          tpu.wait_dma2 semaphore(%run_scoped3A : memref<!tpu.dma_semaphore, #tpu.memory_space<semaphore_mem>>) src(%arg6 : memref<128x128xf32, #tpu.memory_space<vmem>>) dst(%dma_wait3A_76 : memref<128x128xf32, #tpu.memory_space<hbm>>)
          tpu.yield
        }) : () -> ()
      } else {
      }
      %and3A_34 = arith.constant 3 : i32
      %and3A_35 = arith.andi %scan3A_30, %and3A_34 : i32
      %eq3A_36 = arith.constant 1 : i32
      %eq3A_37 = arith.cmpi eq, %and3A_35, %eq3A_36 : i32
      %convert_element_type3A_38 = arith.extui %eq3A_37 : i1 to i32
      %cond3A_39 = arith.constant 0 : i32
      %cond3A_40 = arith.cmpi ne, %convert_element_type3A_38, %cond3A_39 : i32
      scf.if %cond3A_40 {
        %dma_wait3A = arith.constant 0 : i32
        %dma_wait3A_55 = tpu.memref_slice %arg5[%scan3A_30, %dma_wait3A] : memref<64x128xi32, #tpu.memory_space<vmem>> -> memref<1x128xi32, #tpu.memory_space<vmem>>
        %dma_wait3A_56 = tpu.memref_squeeze %dma_wait3A_55 : memref<1x128xi32, #tpu.memory_space<vmem>> -> memref<128xi32, #tpu.memory_space<vmem>>
        %dma_wait3A_57 = arith.constant 0 : i32
        %dma_wait3A_58 = arith.constant 0 : i32
        %dma_wait3A_59 = tpu.memref_slice %arg2[%dma_wait3A_57, %dma_wait3A_58] : memref<16384x128xf32, #tpu.memory_space<hbm>> -> memref<16384x128xf32, #tpu.memory_space<hbm>>
        tpu.wait_indirect_dma semaphore(%arg11 : memref<!tpu.dma_semaphore, #tpu.memory_space<semaphore_mem>>) src(%dma_wait3A_59 : memref<16384x128xf32, #tpu.memory_space<hbm>>) dst(%arg7 : memref<128x128xf32, #tpu.memory_space<vmem>>)
        %add3A_60 = arith.constant 3 : i32
        %add3A_61 = arith.addi %scan3A_30, %add3A_60 : i32
        %lt3A = arith.constant 64 : i32
        %lt3A_62 = arith.cmpi slt, %add3A_61, %lt3A : i32
        %convert_element_type3A_63 = arith.extui %lt3A_62 : i1 to i32
        %cond3A_64 = arith.constant 0 : i32
        %cond3A_65 = arith.cmpi ne, %convert_element_type3A_63, %cond3A_64 : i32
        scf.if %cond3A_65 {
          %add3A_69 = arith.constant 3 : i32
          %add3A_70 = arith.addi %scan3A_30, %add3A_69 : i32
          %dma_start3A_71 = arith.constant 0 : i32
          %dma_start3A_72 = tpu.memref_slice %arg5[%add3A_70, %dma_start3A_71] : memref<64x128xi32, #tpu.memory_space<vmem>> -> memref<1x128xi32, #tpu.memory_space<vmem>>
          %dma_start3A_73 = tpu.memref_squeeze %dma_start3A_72 : memref<1x128xi32, #tpu.memory_space<vmem>> -> memref<128xi32, #tpu.memory_space<vmem>>
          %dma_start3A_74 = arith.constant 0 : i32
          %dma_start3A_75 = arith.constant 0 : i32
          %dma_start3A_76 = tpu.memref_slice %arg2[%dma_start3A_74, %dma_start3A_75] : memref<16384x128xf32, #tpu.memory_space<hbm>> -> memref<16384x128xf32, #tpu.memory_space<hbm>>
          tpu.enqueue_indirect_dma source(%dma_start3A_76 : memref<16384x128xf32, #tpu.memory_space<hbm>>) target(%arg6 : memref<128x128xf32, #tpu.memory_space<vmem>>) offsets(%dma_start3A_73 : memref<128xi32, #tpu.memory_space<vmem>>) semaphore(%arg10 : memref<!tpu.dma_semaphore, #tpu.memory_space<semaphore_mem>>)
        } else {
        }
        %mul3A_66 = arith.constant 128 : i32
        %mul3A_67 = arith.muli %scan3A_30, %mul3A_66 : i32
        %add3A_68 = arith.addi %mul3A_4, %mul3A_67 : i32
        "tpu.region"() ({
          %run_scoped3A = tpu.sem_alloc : memref<!tpu.dma_semaphore, #tpu.memory_space<semaphore_mem>>
          %dma_start3A_69 = arith.constant 0 : i32
          %dma_start3A_70 = tpu.memref_slice %arg4[%add3A_68, %dma_start3A_69] : memref<262144x128xf32, #tpu.memory_space<hbm>> -> memref<128x128xf32, #tpu.memory_space<hbm>>
          %dma_start3A_71 = arith.constant 0 : i32
          %dma_start3A_72 = tpu.memref_slice %arg4[%add3A_68, %dma_start3A_71] : memref<262144x128xf32, #tpu.memory_space<hbm>> -> memref<128x128xf32, #tpu.memory_space<hbm>>
          tpu.enqueue_dma source(%arg7 : memref<128x128xf32, #tpu.memory_space<vmem>>) target(%dma_start3A_72 : memref<128x128xf32, #tpu.memory_space<hbm>>) target_semaphore(%run_scoped3A : memref<!tpu.dma_semaphore, #tpu.memory_space<semaphore_mem>>)
          %dma_wait3A_73 = arith.constant 0 : i32
          %dma_wait3A_74 = tpu.memref_slice %arg4[%add3A_68, %dma_wait3A_73] : memref<262144x128xf32, #tpu.memory_space<hbm>> -> memref<128x128xf32, #tpu.memory_space<hbm>>
          %dma_wait3A_75 = arith.constant 0 : i32
          %dma_wait3A_76 = tpu.memref_slice %arg4[%add3A_68, %dma_wait3A_75] : memref<262144x128xf32, #tpu.memory_space<hbm>> -> memref<128x128xf32, #tpu.memory_space<hbm>>
          tpu.wait_dma2 semaphore(%run_scoped3A : memref<!tpu.dma_semaphore, #tpu.memory_space<semaphore_mem>>) src(%arg7 : memref<128x128xf32, #tpu.memory_space<vmem>>) dst(%dma_wait3A_76 : memref<128x128xf32, #tpu.memory_space<hbm>>)
          tpu.yield
        }) : () -> ()
      } else {
      }
      %and3A_41 = arith.constant 3 : i32
      %and3A_42 = arith.andi %scan3A_30, %and3A_41 : i32
      %eq3A_43 = arith.constant 2 : i32
      %eq3A_44 = arith.cmpi eq, %and3A_42, %eq3A_43 : i32
      %convert_element_type3A_45 = arith.extui %eq3A_44 : i1 to i32
      %cond3A_46 = arith.constant 0 : i32
      %cond3A_47 = arith.cmpi ne, %convert_element_type3A_45, %cond3A_46 : i32
      scf.if %cond3A_47 {
        %dma_wait3A = arith.constant 0 : i32
        %dma_wait3A_55 = tpu.memref_slice %arg5[%scan3A_30, %dma_wait3A] : memref<64x128xi32, #tpu.memory_space<vmem>> -> memref<1x128xi32, #tpu.memory_space<vmem>>
        %dma_wait3A_56 = tpu.memref_squeeze %dma_wait3A_55 : memref<1x128xi32, #tpu.memory_space<vmem>> -> memref<128xi32, #tpu.memory_space<vmem>>
        %dma_wait3A_57 = arith.constant 0 : i32
        %dma_wait3A_58 = arith.constant 0 : i32
        %dma_wait3A_59 = tpu.memref_slice %arg2[%dma_wait3A_57, %dma_wait3A_58] : memref<16384x128xf32, #tpu.memory_space<hbm>> -> memref<16384x128xf32, #tpu.memory_space<hbm>>
        tpu.wait_indirect_dma semaphore(%arg12 : memref<!tpu.dma_semaphore, #tpu.memory_space<semaphore_mem>>) src(%dma_wait3A_59 : memref<16384x128xf32, #tpu.memory_space<hbm>>) dst(%arg8 : memref<128x128xf32, #tpu.memory_space<vmem>>)
        %add3A_60 = arith.constant 3 : i32
        %add3A_61 = arith.addi %scan3A_30, %add3A_60 : i32
        %lt3A = arith.constant 64 : i32
        %lt3A_62 = arith.cmpi slt, %add3A_61, %lt3A : i32
        %convert_element_type3A_63 = arith.extui %lt3A_62 : i1 to i32
        %cond3A_64 = arith.constant 0 : i32
        %cond3A_65 = arith.cmpi ne, %convert_element_type3A_63, %cond3A_64 : i32
        scf.if %cond3A_65 {
          %add3A_69 = arith.constant 3 : i32
          %add3A_70 = arith.addi %scan3A_30, %add3A_69 : i32
          %dma_start3A_71 = arith.constant 0 : i32
          %dma_start3A_72 = tpu.memref_slice %arg5[%add3A_70, %dma_start3A_71] : memref<64x128xi32, #tpu.memory_space<vmem>> -> memref<1x128xi32, #tpu.memory_space<vmem>>
          %dma_start3A_73 = tpu.memref_squeeze %dma_start3A_72 : memref<1x128xi32, #tpu.memory_space<vmem>> -> memref<128xi32, #tpu.memory_space<vmem>>
          %dma_start3A_74 = arith.constant 0 : i32
          %dma_start3A_75 = arith.constant 0 : i32
          %dma_start3A_76 = tpu.memref_slice %arg2[%dma_start3A_74, %dma_start3A_75] : memref<16384x128xf32, #tpu.memory_space<hbm>> -> memref<16384x128xf32, #tpu.memory_space<hbm>>
          tpu.enqueue_indirect_dma source(%dma_start3A_76 : memref<16384x128xf32, #tpu.memory_space<hbm>>) target(%arg7 : memref<128x128xf32, #tpu.memory_space<vmem>>) offsets(%dma_start3A_73 : memref<128xi32, #tpu.memory_space<vmem>>) semaphore(%arg11 : memref<!tpu.dma_semaphore, #tpu.memory_space<semaphore_mem>>)
        } else {
        }
        %mul3A_66 = arith.constant 128 : i32
        %mul3A_67 = arith.muli %scan3A_30, %mul3A_66 : i32
        %add3A_68 = arith.addi %mul3A_4, %mul3A_67 : i32
        "tpu.region"() ({
          %run_scoped3A = tpu.sem_alloc : memref<!tpu.dma_semaphore, #tpu.memory_space<semaphore_mem>>
          %dma_start3A_69 = arith.constant 0 : i32
          %dma_start3A_70 = tpu.memref_slice %arg4[%add3A_68, %dma_start3A_69] : memref<262144x128xf32, #tpu.memory_space<hbm>> -> memref<128x128xf32, #tpu.memory_space<hbm>>
          %dma_start3A_71 = arith.constant 0 : i32
          %dma_start3A_72 = tpu.memref_slice %arg4[%add3A_68, %dma_start3A_71] : memref<262144x128xf32, #tpu.memory_space<hbm>> -> memref<128x128xf32, #tpu.memory_space<hbm>>
          tpu.enqueue_dma source(%arg8 : memref<128x128xf32, #tpu.memory_space<vmem>>) target(%dma_start3A_72 : memref<128x128xf32, #tpu.memory_space<hbm>>) target_semaphore(%run_scoped3A : memref<!tpu.dma_semaphore, #tpu.memory_space<semaphore_mem>>)
          %dma_wait3A_73 = arith.constant 0 : i32
          %dma_wait3A_74 = tpu.memref_slice %arg4[%add3A_68, %dma_wait3A_73] : memref<262144x128xf32, #tpu.memory_space<hbm>> -> memref<128x128xf32, #tpu.memory_space<hbm>>
          %dma_wait3A_75 = arith.constant 0 : i32
          %dma_wait3A_76 = tpu.memref_slice %arg4[%add3A_68, %dma_wait3A_75] : memref<262144x128xf32, #tpu.memory_space<hbm>> -> memref<128x128xf32, #tpu.memory_space<hbm>>
          tpu.wait_dma2 semaphore(%run_scoped3A : memref<!tpu.dma_semaphore, #tpu.memory_space<semaphore_mem>>) src(%arg8 : memref<128x128xf32, #tpu.memory_space<vmem>>) dst(%dma_wait3A_76 : memref<128x128xf32, #tpu.memory_space<hbm>>)
          tpu.yield
        }) : () -> ()
      } else {
      }
      %and3A_48 = arith.constant 3 : i32
      %and3A_49 = arith.andi %scan3A_30, %and3A_48 : i32
      %eq3A_50 = arith.constant 3 : i32
      %eq3A_51 = arith.cmpi eq, %and3A_49, %eq3A_50 : i32
      %convert_element_type3A_52 = arith.extui %eq3A_51 : i1 to i32
      %cond3A_53 = arith.constant 0 : i32
      %cond3A_54 = arith.cmpi ne, %convert_element_type3A_52, %cond3A_53 : i32
      scf.if %cond3A_54 {
        %dma_wait3A = arith.constant 0 : i32
        %dma_wait3A_55 = tpu.memref_slice %arg5[%scan3A_30, %dma_wait3A] : memref<64x128xi32, #tpu.memory_space<vmem>> -> memref<1x128xi32, #tpu.memory_space<vmem>>
        %dma_wait3A_56 = tpu.memref_squeeze %dma_wait3A_55 : memref<1x128xi32, #tpu.memory_space<vmem>> -> memref<128xi32, #tpu.memory_space<vmem>>
        %dma_wait3A_57 = arith.constant 0 : i32
        %dma_wait3A_58 = arith.constant 0 : i32
        %dma_wait3A_59 = tpu.memref_slice %arg2[%dma_wait3A_57, %dma_wait3A_58] : memref<16384x128xf32, #tpu.memory_space<hbm>> -> memref<16384x128xf32, #tpu.memory_space<hbm>>
        tpu.wait_indirect_dma semaphore(%arg13 : memref<!tpu.dma_semaphore, #tpu.memory_space<semaphore_mem>>) src(%dma_wait3A_59 : memref<16384x128xf32, #tpu.memory_space<hbm>>) dst(%arg9 : memref<128x128xf32, #tpu.memory_space<vmem>>)
        %add3A_60 = arith.constant 3 : i32
        %add3A_61 = arith.addi %scan3A_30, %add3A_60 : i32
        %lt3A = arith.constant 64 : i32
        %lt3A_62 = arith.cmpi slt, %add3A_61, %lt3A : i32
        %convert_element_type3A_63 = arith.extui %lt3A_62 : i1 to i32
        %cond3A_64 = arith.constant 0 : i32
        %cond3A_65 = arith.cmpi ne, %convert_element_type3A_63, %cond3A_64 : i32
        scf.if %cond3A_65 {
          %add3A_69 = arith.constant 3 : i32
          %add3A_70 = arith.addi %scan3A_30, %add3A_69 : i32
          %dma_start3A_71 = arith.constant 0 : i32
          %dma_start3A_72 = tpu.memref_slice %arg5[%add3A_70, %dma_start3A_71] : memref<64x128xi32, #tpu.memory_space<vmem>> -> memref<1x128xi32, #tpu.memory_space<vmem>>
          %dma_start3A_73 = tpu.memref_squeeze %dma_start3A_72 : memref<1x128xi32, #tpu.memory_space<vmem>> -> memref<128xi32, #tpu.memory_space<vmem>>
          %dma_start3A_74 = arith.constant 0 : i32
          %dma_start3A_75 = arith.constant 0 : i32
          %dma_start3A_76 = tpu.memref_slice %arg2[%dma_start3A_74, %dma_start3A_75] : memref<16384x128xf32, #tpu.memory_space<hbm>> -> memref<16384x128xf32, #tpu.memory_space<hbm>>
          tpu.enqueue_indirect_dma source(%dma_start3A_76 : memref<16384x128xf32, #tpu.memory_space<hbm>>) target(%arg8 : memref<128x128xf32, #tpu.memory_space<vmem>>) offsets(%dma_start3A_73 : memref<128xi32, #tpu.memory_space<vmem>>) semaphore(%arg12 : memref<!tpu.dma_semaphore, #tpu.memory_space<semaphore_mem>>)
        } else {
        }
        %mul3A_66 = arith.constant 128 : i32
        %mul3A_67 = arith.muli %scan3A_30, %mul3A_66 : i32
        %add3A_68 = arith.addi %mul3A_4, %mul3A_67 : i32
        "tpu.region"() ({
          %run_scoped3A = tpu.sem_alloc : memref<!tpu.dma_semaphore, #tpu.memory_space<semaphore_mem>>
          %dma_start3A_69 = arith.constant 0 : i32
          %dma_start3A_70 = tpu.memref_slice %arg4[%add3A_68, %dma_start3A_69] : memref<262144x128xf32, #tpu.memory_space<hbm>> -> memref<128x128xf32, #tpu.memory_space<hbm>>
          %dma_start3A_71 = arith.constant 0 : i32
          %dma_start3A_72 = tpu.memref_slice %arg4[%add3A_68, %dma_start3A_71] : memref<262144x128xf32, #tpu.memory_space<hbm>> -> memref<128x128xf32, #tpu.memory_space<hbm>>
          tpu.enqueue_dma source(%arg9 : memref<128x128xf32, #tpu.memory_space<vmem>>) target(%dma_start3A_72 : memref<128x128xf32, #tpu.memory_space<hbm>>) target_semaphore(%run_scoped3A : memref<!tpu.dma_semaphore, #tpu.memory_space<semaphore_mem>>)
          %dma_wait3A_73 = arith.constant 0 : i32
          %dma_wait3A_74 = tpu.memref_slice %arg4[%add3A_68, %dma_wait3A_73] : memref<262144x128xf32, #tpu.memory_space<hbm>> -> memref<128x128xf32, #tpu.memory_space<hbm>>
          %dma_wait3A_75 = arith.constant 0 : i32
          %dma_wait3A_76 = tpu.memref_slice %arg4[%add3A_68, %dma_wait3A_75] : memref<262144x128xf32, #tpu.memory_space<hbm>> -> memref<128x128xf32, #tpu.memory_space<hbm>>
          tpu.wait_dma2 semaphore(%run_scoped3A : memref<!tpu.dma_semaphore, #tpu.memory_space<semaphore_mem>>) src(%arg9 : memref<128x128xf32, #tpu.memory_space<vmem>>) dst(%dma_wait3A_76 : memref<128x128xf32, #tpu.memory_space<hbm>>)
          tpu.yield
        }) : () -> ()
      } else {
      }
    }
    %scan3A_29 = arith.constant 64 : i32
    return
  }
}

module attributes {stable_mosaic.version = 14 : i64} {
  func.func @_edge_mlp_kernel(%arg0: i32, %arg1: i32, %arg2: memref<1x4096x128xf32, #tpu.memory_space<vmem>>, %arg3: memref<1x256x128xf32, #tpu.memory_space<vmem>>, %arg4: memref<128x128xf32, #tpu.memory_space<vmem>>, %arg5: memref<128x128xf32, #tpu.memory_space<vmem>>, %arg6: memref<8x128xf32, #tpu.memory_space<vmem>>, %arg7: memref<8x128xf32, #tpu.memory_space<vmem>>, %arg8: memref<8x128xf32, #tpu.memory_space<vmem>>, %arg9: memref<1x256x128xf32, #tpu.memory_space<vmem>>) attributes {dimension_semantics = [#tpu.dimension_semantics<arbitrary>, #tpu.dimension_semantics<arbitrary>], iteration_bounds = array<i64: 4, 16>, scalar_prefetch = 0 : i64, scratch_operands = 0 : i64, tpu.core_type = #tpu.core_type<tc>, window_params = [{transform_indices = @transform_0, window_bounds = array<i64: 1, 4096, 128>}, {transform_indices = @transform_1, window_bounds = array<i64: 1, 256, 128>}, {pipeline_mode = #tpu.pipeline_mode<synchronous>, transform_indices = @transform_2, window_bounds = array<i64: 128, 128>}, {pipeline_mode = #tpu.pipeline_mode<synchronous>, transform_indices = @transform_3, window_bounds = array<i64: 128, 128>}, {pipeline_mode = #tpu.pipeline_mode<synchronous>, transform_indices = @transform_4, window_bounds = array<i64: 8, 128>}, {pipeline_mode = #tpu.pipeline_mode<synchronous>, transform_indices = @transform_5, window_bounds = array<i64: 8, 128>}, {pipeline_mode = #tpu.pipeline_mode<synchronous>, transform_indices = @transform_6, window_bounds = array<i64: 8, 128>}, {transform_indices = @transform_7, window_bounds = array<i64: 1, 256, 128>}]} {
    %get3A = arith.constant 0 : index
    %get3A_0 = arith.constant 0 : index
    %get3A_1 = arith.constant 0 : index
    %get3A_2 = vector.load %arg2[%get3A, %get3A_0, %get3A_1] : memref<1x4096x128xf32, #tpu.memory_space<vmem>>, vector<1x4096x128xf32>
    %get3A_3 = vector.shape_cast %get3A_2 : vector<1x4096x128xf32> to vector<4096x128xf32>
    %get3A_4 = arith.constant 0 : index
    %get3A_5 = arith.constant 0 : index
    %get3A_6 = arith.constant 0 : index
    %get3A_7 = vector.load %arg3[%get3A_4, %get3A_5, %get3A_6] : memref<1x256x128xf32, #tpu.memory_space<vmem>>, vector<1x256x128xf32>
    %get3A_8 = vector.shape_cast %get3A_7 : vector<1x256x128xf32> to vector<256x128xf32>
    %broadcast_in_dim3A = vector.shape_cast %get3A_8 : vector<256x128xf32> to vector<256x1x128xf32>
    %broadcast_in_dim3A_9 = vector.shape_cast %broadcast_in_dim3A : vector<256x1x128xf32> to vector<256x1x128xf32>
    %broadcast_in_dim3A_10 = vector.broadcast %broadcast_in_dim3A_9 : vector<256x1x128xf32> to vector<256x16x128xf32>
    %reshape3A = vector.shape_cast %broadcast_in_dim3A_10 : vector<256x16x128xf32> to vector<4096x128xf32>
    %add3A = arith.addf %get3A_3, %reshape3A : vector<4096x128xf32>
    %get3A_11 = arith.constant 0 : index
    %get3A_12 = arith.constant 0 : index
    %get3A_13 = vector.load %arg4[%get3A_11, %get3A_12] : memref<128x128xf32, #tpu.memory_space<vmem>>, vector<128x128xf32>
    %dot_general3A = arith.constant dense<0.000000e+00> : vector<4096x128xf32>
    %dot_general3A_14 = tpu.matmul %add3A, %get3A_13, %dot_general3A {dimension_numbers = #tpu.dot_dimension_numbers<[1], [0], [0], [1], [0, 0, 1, 1], [], []>, transpose_lhs_hint = false} : vector<4096x128xf32>, vector<128x128xf32>, vector<4096x128xf32> -> vector<4096x128xf32>
    %sub3A = arith.subf %add3A, %dot_general3A_14 : vector<4096x128xf32>
    %mul3A = arith.mulf %sub3A, %sub3A : vector<4096x128xf32>
    %dot_general3A_15 = arith.constant dense<0.000000e+00> : vector<4096x128xf32>
    %dot_general3A_16 = tpu.matmul %mul3A, %get3A_13, %dot_general3A_15 {dimension_numbers = #tpu.dot_dimension_numbers<[1], [0], [0], [1], [0, 0, 1, 1], [], []>, transpose_lhs_hint = false} : vector<4096x128xf32>, vector<128x128xf32>, vector<4096x128xf32> -> vector<4096x128xf32>
    %add3A_17 = arith.constant 9.99999974E-6 : f32
    %add3A_18 = vector.broadcast %add3A_17 : f32 to vector<4096x128xf32>
    %add3A_19 = arith.addf %dot_general3A_16, %add3A_18 : vector<4096x128xf32>
    %rsqrt3A = math.rsqrt %add3A_19 : vector<4096x128xf32>
    %mul3A_20 = arith.mulf %sub3A, %rsqrt3A : vector<4096x128xf32>
    %get3A_21 = arith.constant 0 : index
    %get3A_22 = arith.constant 0 : index
    %get3A_23 = vector.load %arg6[%get3A_21, %get3A_22] : memref<8x128xf32, #tpu.memory_space<vmem>>, vector<1x128xf32>
    %mul3A_24 = vector.broadcast %get3A_23 : vector<1x128xf32> to vector<4096x128xf32>
    %mul3A_25 = arith.mulf %mul3A_20, %mul3A_24 : vector<4096x128xf32>
    %get3A_26 = arith.constant 0 : index
    %get3A_27 = arith.constant 0 : index
    %get3A_28 = vector.load %arg7[%get3A_26, %get3A_27] : memref<8x128xf32, #tpu.memory_space<vmem>>, vector<1x128xf32>
    %add3A_29 = vector.broadcast %get3A_28 : vector<1x128xf32> to vector<4096x128xf32>
    %add3A_30 = arith.addf %mul3A_25, %add3A_29 : vector<4096x128xf32>
    %max3A = arith.constant 0.000000e+00 : f32
    %max3A_31 = vector.broadcast %max3A : f32 to vector<4096x128xf32>
    %max3A_32 = arith.maximumf %add3A_30, %max3A_31 : vector<4096x128xf32>
    %get3A_33 = arith.constant 0 : index
    %get3A_34 = arith.constant 0 : index
    %get3A_35 = vector.load %arg5[%get3A_33, %get3A_34] : memref<128x128xf32, #tpu.memory_space<vmem>>, vector<128x128xf32>
    %dot_general3A_36 = arith.constant dense<0.000000e+00> : vector<4096x128xf32>
    %dot_general3A_37 = tpu.matmul %max3A_32, %get3A_35, %dot_general3A_36 {dimension_numbers = #tpu.dot_dimension_numbers<[1], [0], [0], [1], [0, 0, 1, 1], [], []>, transpose_lhs_hint = false} : vector<4096x128xf32>, vector<128x128xf32>, vector<4096x128xf32> -> vector<4096x128xf32>
    %get3A_38 = arith.constant 0 : index
    %get3A_39 = arith.constant 0 : index
    %get3A_40 = vector.load %arg8[%get3A_38, %get3A_39] : memref<8x128xf32, #tpu.memory_space<vmem>>, vector<1x128xf32>
    %add3A_41 = vector.broadcast %get3A_40 : vector<1x128xf32> to vector<4096x128xf32>
    %add3A_42 = arith.addf %dot_general3A_37, %add3A_41 : vector<4096x128xf32>
    %reshape3A_43 = vector.shape_cast %add3A_42 : vector<4096x128xf32> to vector<256x16x128xf32>
    %slice3A = vector.extract_strided_slice %reshape3A_43 {offsets = [0, 0, 0], sizes = [256, 1, 128], strides = [1, 1, 1]} : vector<256x16x128xf32> to vector<256x1x128xf32>
    %squeeze3A = vector.shape_cast %slice3A : vector<256x1x128xf32> to vector<256x128xf32>
    %slice3A_44 = vector.extract_strided_slice %reshape3A_43 {offsets = [0, 1, 0], sizes = [256, 1, 128], strides = [1, 1, 1]} : vector<256x16x128xf32> to vector<256x1x128xf32>
    %squeeze3A_45 = vector.shape_cast %slice3A_44 : vector<256x1x128xf32> to vector<256x128xf32>
    %max3A_46 = arith.maximumf %squeeze3A, %squeeze3A_45 : vector<256x128xf32>
    %slice3A_47 = vector.extract_strided_slice %reshape3A_43 {offsets = [0, 2, 0], sizes = [256, 1, 128], strides = [1, 1, 1]} : vector<256x16x128xf32> to vector<256x1x128xf32>
    %squeeze3A_48 = vector.shape_cast %slice3A_47 : vector<256x1x128xf32> to vector<256x128xf32>
    %max3A_49 = arith.maximumf %max3A_46, %squeeze3A_48 : vector<256x128xf32>
    %slice3A_50 = vector.extract_strided_slice %reshape3A_43 {offsets = [0, 3, 0], sizes = [256, 1, 128], strides = [1, 1, 1]} : vector<256x16x128xf32> to vector<256x1x128xf32>
    %squeeze3A_51 = vector.shape_cast %slice3A_50 : vector<256x1x128xf32> to vector<256x128xf32>
    %max3A_52 = arith.maximumf %max3A_49, %squeeze3A_51 : vector<256x128xf32>
    %slice3A_53 = vector.extract_strided_slice %reshape3A_43 {offsets = [0, 4, 0], sizes = [256, 1, 128], strides = [1, 1, 1]} : vector<256x16x128xf32> to vector<256x1x128xf32>
    %squeeze3A_54 = vector.shape_cast %slice3A_53 : vector<256x1x128xf32> to vector<256x128xf32>
    %max3A_55 = arith.maximumf %max3A_52, %squeeze3A_54 : vector<256x128xf32>
    %slice3A_56 = vector.extract_strided_slice %reshape3A_43 {offsets = [0, 5, 0], sizes = [256, 1, 128], strides = [1, 1, 1]} : vector<256x16x128xf32> to vector<256x1x128xf32>
    %squeeze3A_57 = vector.shape_cast %slice3A_56 : vector<256x1x128xf32> to vector<256x128xf32>
    %max3A_58 = arith.maximumf %max3A_55, %squeeze3A_57 : vector<256x128xf32>
    %slice3A_59 = vector.extract_strided_slice %reshape3A_43 {offsets = [0, 6, 0], sizes = [256, 1, 128], strides = [1, 1, 1]} : vector<256x16x128xf32> to vector<256x1x128xf32>
    %squeeze3A_60 = vector.shape_cast %slice3A_59 : vector<256x1x128xf32> to vector<256x128xf32>
    %max3A_61 = arith.maximumf %max3A_58, %squeeze3A_60 : vector<256x128xf32>
    %slice3A_62 = vector.extract_strided_slice %reshape3A_43 {offsets = [0, 7, 0], sizes = [256, 1, 128], strides = [1, 1, 1]} : vector<256x16x128xf32> to vector<256x1x128xf32>
    %squeeze3A_63 = vector.shape_cast %slice3A_62 : vector<256x1x128xf32> to vector<256x128xf32>
    %max3A_64 = arith.maximumf %max3A_61, %squeeze3A_63 : vector<256x128xf32>
    %slice3A_65 = vector.extract_strided_slice %reshape3A_43 {offsets = [0, 8, 0], sizes = [256, 1, 128], strides = [1, 1, 1]} : vector<256x16x128xf32> to vector<256x1x128xf32>
    %squeeze3A_66 = vector.shape_cast %slice3A_65 : vector<256x1x128xf32> to vector<256x128xf32>
    %max3A_67 = arith.maximumf %max3A_64, %squeeze3A_66 : vector<256x128xf32>
    %slice3A_68 = vector.extract_strided_slice %reshape3A_43 {offsets = [0, 9, 0], sizes = [256, 1, 128], strides = [1, 1, 1]} : vector<256x16x128xf32> to vector<256x1x128xf32>
    %squeeze3A_69 = vector.shape_cast %slice3A_68 : vector<256x1x128xf32> to vector<256x128xf32>
    %max3A_70 = arith.maximumf %max3A_67, %squeeze3A_69 : vector<256x128xf32>
    %slice3A_71 = vector.extract_strided_slice %reshape3A_43 {offsets = [0, 10, 0], sizes = [256, 1, 128], strides = [1, 1, 1]} : vector<256x16x128xf32> to vector<256x1x128xf32>
    %squeeze3A_72 = vector.shape_cast %slice3A_71 : vector<256x1x128xf32> to vector<256x128xf32>
    %max3A_73 = arith.maximumf %max3A_70, %squeeze3A_72 : vector<256x128xf32>
    %slice3A_74 = vector.extract_strided_slice %reshape3A_43 {offsets = [0, 11, 0], sizes = [256, 1, 128], strides = [1, 1, 1]} : vector<256x16x128xf32> to vector<256x1x128xf32>
    %squeeze3A_75 = vector.shape_cast %slice3A_74 : vector<256x1x128xf32> to vector<256x128xf32>
    %max3A_76 = arith.maximumf %max3A_73, %squeeze3A_75 : vector<256x128xf32>
    %slice3A_77 = vector.extract_strided_slice %reshape3A_43 {offsets = [0, 12, 0], sizes = [256, 1, 128], strides = [1, 1, 1]} : vector<256x16x128xf32> to vector<256x1x128xf32>
    %squeeze3A_78 = vector.shape_cast %slice3A_77 : vector<256x1x128xf32> to vector<256x128xf32>
    %max3A_79 = arith.maximumf %max3A_76, %squeeze3A_78 : vector<256x128xf32>
    %slice3A_80 = vector.extract_strided_slice %reshape3A_43 {offsets = [0, 13, 0], sizes = [256, 1, 128], strides = [1, 1, 1]} : vector<256x16x128xf32> to vector<256x1x128xf32>
    %squeeze3A_81 = vector.shape_cast %slice3A_80 : vector<256x1x128xf32> to vector<256x128xf32>
    %max3A_82 = arith.maximumf %max3A_79, %squeeze3A_81 : vector<256x128xf32>
    %slice3A_83 = vector.extract_strided_slice %reshape3A_43 {offsets = [0, 14, 0], sizes = [256, 1, 128], strides = [1, 1, 1]} : vector<256x16x128xf32> to vector<256x1x128xf32>
    %squeeze3A_84 = vector.shape_cast %slice3A_83 : vector<256x1x128xf32> to vector<256x128xf32>
    %max3A_85 = arith.maximumf %max3A_82, %squeeze3A_84 : vector<256x128xf32>
    %slice3A_86 = vector.extract_strided_slice %reshape3A_43 {offsets = [0, 15, 0], sizes = [256, 1, 128], strides = [1, 1, 1]} : vector<256x16x128xf32> to vector<256x1x128xf32>
    %squeeze3A_87 = vector.shape_cast %slice3A_86 : vector<256x1x128xf32> to vector<256x128xf32>
    %max3A_88 = arith.maximumf %max3A_85, %squeeze3A_87 : vector<256x128xf32>
    %swap3A = arith.constant 0 : index
    %swap3A_89 = arith.constant 0 : index
    %swap3A_90 = arith.constant 0 : index
    %swap3A_91 = vector.load %arg9[%swap3A, %swap3A_89, %swap3A_90] : memref<1x256x128xf32, #tpu.memory_space<vmem>>, vector<1x256x128xf32>
    %swap3A_92 = vector.shape_cast %swap3A_91 : vector<1x256x128xf32> to vector<256x128xf32>
    %swap3A_93 = vector.shape_cast %max3A_88 : vector<256x128xf32> to vector<1x256x128xf32>
    tpu.vector_store %arg9[%swap3A, %swap3A_89, %swap3A_90], %swap3A_93 {strides = array<i32>} : memref<1x256x128xf32, #tpu.memory_space<vmem>>, vector<1x256x128xf32>,
    return
  }
  func.func @transform_0(%arg0: i32, %arg1: i32) -> (i32, i32, i32) {
    %c0_i32 = arith.constant 0 : i32
    %c0_i32_0 = arith.constant 0 : i32
    return %arg0, %arg1, %c0_i32 : i32, i32, i32
  }
  func.func @transform_1(%arg0: i32, %arg1: i32) -> (i32, i32, i32) {
    %c0_i32 = arith.constant 0 : i32
    %c0_i32_0 = arith.constant 0 : i32
    return %arg0, %arg1, %c0_i32 : i32, i32, i32
  }
  func.func @transform_2(%arg0: i32, %arg1: i32) -> (i32, i32) {
    %c0_i32 = arith.constant 0 : i32
    %c0_i32_0 = arith.constant 0 : i32
    %c0_i32_1 = arith.constant 0 : i32
    return %c0_i32, %c0_i32_0 : i32, i32
  }
  func.func @transform_3(%arg0: i32, %arg1: i32) -> (i32, i32) {
    %c0_i32 = arith.constant 0 : i32
    %c0_i32_0 = arith.constant 0 : i32
    %c0_i32_1 = arith.constant 0 : i32
    return %c0_i32, %c0_i32_0 : i32, i32
  }
  func.func @transform_4(%arg0: i32, %arg1: i32) -> (i32, i32) {
    %c0_i32 = arith.constant 0 : i32
    %c0_i32_0 = arith.constant 0 : i32
    %c0_i32_1 = arith.constant 0 : i32
    return %c0_i32, %c0_i32_0 : i32, i32
  }
  func.func @transform_5(%arg0: i32, %arg1: i32) -> (i32, i32) {
    %c0_i32 = arith.constant 0 : i32
    %c0_i32_0 = arith.constant 0 : i32
    %c0_i32_1 = arith.constant 0 : i32
    return %c0_i32, %c0_i32_0 : i32, i32
  }
  func.func @transform_6(%arg0: i32, %arg1: i32) -> (i32, i32) {
    %c0_i32 = arith.constant 0 : i32
    %c0_i32_0 = arith.constant 0 : i32
    %c0_i32_1 = arith.constant 0 : i32
    return %c0_i32, %c0_i32_0 : i32, i32
  }
  func.func @transform_7(%arg0: i32, %arg1: i32) -> (i32, i32, i32) {
    %c0_i32 = arith.constant 0 : i32
    %c0_i32_0 = arith.constant 0 : i32
    return %arg0, %arg1, %c0_i32 : i32, i32, i32
  }
}

module attributes {stable_mosaic.version = 14 : i64} {
  func.func @_knn_uv_kernel(%arg0: i32, %arg1: i32, %arg2: memref<1x256x128xf32, #tpu.memory_space<vmem>>, %arg3: memref<1x4096x128xf32, #tpu.memory_space<vmem>>, %arg4: memref<128x128xf32, #tpu.memory_space<vmem>>, %arg5: memref<128x128xf32, #tpu.memory_space<vmem>>, %arg6: memref<8x128xf32, #tpu.memory_space<vmem>>, %arg7: memref<1x256x16xi32, #tpu.memory_space<vmem>>, %arg8: memref<1x256x128xf32, #tpu.memory_space<vmem>>, %arg9: memref<1x256x128xf32, #tpu.memory_space<vmem>>, %arg10: memref<8x4096xf32, #tpu.memory_space<vmem>>) attributes {dimension_semantics = [#tpu.dimension_semantics<arbitrary>, #tpu.dimension_semantics<arbitrary>], iteration_bounds = array<i64: 4, 16>, scalar_prefetch = 0 : i64, scratch_operands = 1 : i64, tpu.core_type = #tpu.core_type<tc>, window_params = [{transform_indices = @transform_0, window_bounds = array<i64: 1, 256, 128>}, {transform_indices = @transform_1, window_bounds = array<i64: 1, 4096, 128>}, {pipeline_mode = #tpu.pipeline_mode<synchronous>, transform_indices = @transform_2, window_bounds = array<i64: 128, 128>}, {pipeline_mode = #tpu.pipeline_mode<synchronous>, transform_indices = @transform_3, window_bounds = array<i64: 128, 128>}, {pipeline_mode = #tpu.pipeline_mode<synchronous>, transform_indices = @transform_4, window_bounds = array<i64: 8, 128>}, {transform_indices = @transform_5, window_bounds = array<i64: 1, 256, 16>}, {transform_indices = @transform_6, window_bounds = array<i64: 1, 256, 128>}, {transform_indices = @transform_7, window_bounds = array<i64: 1, 256, 128>}]} {
    %get3A = arith.constant 0 : index
    %get3A_0 = arith.constant 0 : index
    %get3A_1 = arith.constant 0 : index
    %get3A_2 = vector.load %arg2[%get3A, %get3A_0, %get3A_1] : memref<1x256x128xf32, #tpu.memory_space<vmem>>, vector<1x256x128xf32>
    %get3A_3 = vector.shape_cast %get3A_2 : vector<1x256x128xf32> to vector<256x128xf32>
    %get3A_4 = arith.constant 0 : index
    %get3A_5 = arith.constant 0 : index
    %get3A_6 = arith.constant 0 : index
    %get3A_7 = vector.load %arg3[%get3A_4, %get3A_5, %get3A_6] : memref<1x4096x128xf32, #tpu.memory_space<vmem>>, vector<1x4096x128xf32>
    %get3A_8 = vector.shape_cast %get3A_7 : vector<1x4096x128xf32> to vector<4096x128xf32>
    %eq3A = arith.constant 0 : i32
    %eq3A_9 = arith.cmpi eq, %arg1, %eq3A : i32
    %convert_element_type3A = arith.extui %eq3A_9 : i1 to i32
    %cond3A = arith.constant 0 : i32
    %cond3A_10 = arith.cmpi ne, %convert_element_type3A, %cond3A : i32
    scf.if %cond3A_10 {
      %broadcast_in_dim3A_1031 = arith.constant 1.000000e+00 : f32
      %broadcast_in_dim3A_1032 = vector.broadcast %broadcast_in_dim3A_1031 : f32 to vector<8x128xf32>
      %mul3A_1033 = arith.mulf %get3A_8, %get3A_8 : vector<4096x128xf32>
      %dot_general3A_1034 = arith.constant dense<0.000000e+00> : vector<8x4096xf32>
      %dot_general3A_1035 = tpu.matmul %broadcast_in_dim3A_1032, %mul3A_1033, %dot_general3A_1034 {dimension_numbers = #tpu.dot_dimension_numbers<[1], [1], [0], [0], [0, 0, 1, 0], [], []>, precision = #tpu.contract_precision<fp32>, transpose_lhs_hint = false} : vector<8x128xf32>, vector<4096x128xf32>, vector<8x4096xf32> -> vector<8x4096xf32>
      %swap3A_1036 = arith.constant 0 : index
      %swap3A_1037 = arith.constant 0 : index
      %swap3A_1038 = vector.load %arg10[%swap3A_1036, %swap3A_1037] : memref<8x4096xf32, #tpu.memory_space<vmem>>, vector<8x4096xf32>
      tpu.vector_store %arg10[%swap3A_1036, %swap3A_1037], %dot_general3A_1035 {strides = array<i32>} : memref<8x4096xf32, #tpu.memory_space<vmem>>, vector<8x4096xf32>,
    } else {
    }
    %convert_element_type3A_11 = arith.truncf %get3A_3 : vector<256x128xf32> to vector<256x128xbf16>
    %convert_element_type3A_12 = arith.truncf %get3A_8 : vector<4096x128xf32> to vector<4096x128xbf16>
    %dot_general3A = arith.constant dense<0.000000e+00> : vector<256x4096xf32>
    %dot_general3A_13 = tpu.matmul %convert_element_type3A_11, %convert_element_type3A_12, %dot_general3A {dimension_numbers = #tpu.dot_dimension_numbers<[1], [1], [0], [0], [0, 0, 1, 0], [], []>, transpose_lhs_hint = false} : vector<256x128xbf16>, vector<4096x128xbf16>, vector<256x4096xf32> -> vector<256x4096xf32>
    %mul3A = arith.mulf %get3A_3, %get3A_3 : vector<256x128xf32>
    %reduce_sum3A = arith.constant dense<0.000000e+00> : vector<256xf32>
    %reduce_sum3A_14 = vector.multi_reduction <add>, %mul3A, %reduce_sum3A [1] : vector<256x128xf32> to vector<256xf32>
    %broadcast_in_dim3A = vector.shape_cast %reduce_sum3A_14 : vector<256xf32> to vector<256x1xf32>
    %get3A_15 = arith.constant 0 : index
    %get3A_16 = arith.constant 0 : index
    %get3A_17 = vector.load %arg10[%get3A_15, %get3A_16] : memref<8x4096xf32, #tpu.memory_space<vmem>>, vector<1x4096xf32>
    %add3A = vector.broadcast %broadcast_in_dim3A : vector<256x1xf32> to vector<256x4096xf32>
    %add3A_18 = vector.broadcast %get3A_17 : vector<1x4096xf32> to vector<256x4096xf32>
    %add3A_19 = arith.addf %add3A, %add3A_18 : vector<256x4096xf32>
    %mul3A_20 = arith.constant 2.000000e+00 : f32
    %mul3A_21 = vector.broadcast %mul3A_20 : f32 to vector<256x4096xf32>
    %mul3A_22 = arith.mulf %mul3A_21, %dot_general3A_13 : vector<256x4096xf32>
    %sub3A = arith.subf %add3A_19, %mul3A_22 : vector<256x4096xf32>
    %broadcast_in_dim3A_23 = arith.constant 0x7F800000 : f32
    %broadcast_in_dim3A_24 = vector.broadcast %broadcast_in_dim3A_23 : f32 to vector<256x128xf32>
    %broadcast_in_dim3A_25 = arith.constant 0 : i32
    %broadcast_in_dim3A_26 = vector.broadcast %broadcast_in_dim3A_25 : i32 to vector<256x128xi32>
    %slice3A = vector.extract_strided_slice %sub3A {offsets = [0, 0], sizes = [256, 128], strides = [1, 1]} : vector<256x4096xf32> to vector<256x128xf32>
    %lt3A = arith.cmpf olt, %slice3A, %broadcast_in_dim3A_24 : vector<256x128xf32>
    %lt3A_27 = arith.cmpf olt, %slice3A, %broadcast_in_dim3A_24 : vector<256x128xf32>
    %lt3A_28 = arith.cmpf olt, %slice3A, %broadcast_in_dim3A_24 : vector<256x128xf32>
    %select_n3A = arith.select %lt3A_27, %broadcast_in_dim3A_24, %slice3A : vector<256x128xi1>, vector<256x128xf32>
    %select_n3A_29 = arith.select %lt3A_28, %select_n3A, %broadcast_in_dim3A_24 : vector<256x128xi1>, vector<256x128xf32>
    %jit3A = arith.constant 0 : i32
    %broadcast_in_dim3A_30 = vector.broadcast %jit3A : i32 to vector<256x128xi32>
    %select_n3A_31 = arith.select %lt3A_27, %broadcast_in_dim3A_26, %broadcast_in_dim3A_30 : vector<256x128xi1>, vector<256x128xi32>
    %select_n3A_32 = arith.select %lt3A_28, %select_n3A_31, %broadcast_in_dim3A_26 : vector<256x128xi1>, vector<256x128xi32>
    %select_n3A_33 = arith.select %lt3A, %broadcast_in_dim3A_24, %slice3A : vector<256x128xi1>, vector<256x128xf32>
    %select_n3A_34 = arith.select %lt3A_27, %select_n3A_33, %broadcast_in_dim3A_24 : vector<256x128xi1>, vector<256x128xf32>
    %jit3A_35 = arith.constant 0 : i32
    %broadcast_in_dim3A_36 = vector.broadcast %jit3A_35 : i32 to vector<256x128xi32>
    %select_n3A_37 = arith.select %lt3A, %broadcast_in_dim3A_26, %broadcast_in_dim3A_36 : vector<256x128xi1>, vector<256x128xi32>
    %select_n3A_38 = arith.select %lt3A_27, %select_n3A_37, %broadcast_in_dim3A_26 : vector<256x128xi1>, vector<256x128xi32>
    %select_n3A_39 = arith.select %lt3A, %slice3A, %broadcast_in_dim3A_24 : vector<256x128xi1>, vector<256x128xf32>
    %jit3A_40 = arith.constant 0 : i32
    %broadcast_in_dim3A_41 = vector.broadcast %jit3A_40 : i32 to vector<256x128xi32>
    %select_n3A_42 = arith.select %lt3A, %broadcast_in_dim3A_41, %broadcast_in_dim3A_26 : vector<256x128xi1>, vector<256x128xi32>
    %slice3A_43 = vector.extract_strided_slice %sub3A {offsets = [0, 128], sizes = [256, 128], strides = [1, 1]} : vector<256x4096xf32> to vector<256x128xf32>
    %lt3A_44 = arith.cmpf olt, %slice3A_43, %select_n3A_39 : vector<256x128xf32>
    %lt3A_45 = arith.cmpf olt, %slice3A_43, %select_n3A_34 : vector<256x128xf32>
    %lt3A_46 = arith.cmpf olt, %slice3A_43, %select_n3A_29 : vector<256x128xf32>
    %select_n3A_47 = arith.select %lt3A_45, %select_n3A_34, %slice3A_43 : vector<256x128xi1>, vector<256x128xf32>
    %select_n3A_48 = arith.select %lt3A_46, %select_n3A_47, %select_n3A_29 : vector<256x128xi1>, vector<256x128xf32>
    %jit3A_49 = arith.constant 1 : i32
    %broadcast_in_dim3A_50 = vector.broadcast %jit3A_49 : i32 to vector<256x128xi32>
    %select_n3A_51 = arith.select %lt3A_45, %select_n3A_38, %broadcast_in_dim3A_50 : vector<256x128xi1>, vector<256x128xi32>
    %select_n3A_52 = arith.select %lt3A_46, %select_n3A_51, %select_n3A_32 : vector<256x128xi1>, vector<256x128xi32>
    %select_n3A_53 = arith.select %lt3A_44, %select_n3A_39, %slice3A_43 : vector<256x128xi1>, vector<256x128xf32>
    %select_n3A_54 = arith.select %lt3A_45, %select_n3A_53, %select_n3A_34 : vector<256x128xi1>, vector<256x128xf32>
    %jit3A_55 = arith.constant 1 : i32
    %broadcast_in_dim3A_56 = vector.broadcast %jit3A_55 : i32 to vector<256x128xi32>
    %select_n3A_57 = arith.select %lt3A_44, %select_n3A_42, %broadcast_in_dim3A_56 : vector<256x128xi1>, vector<256x128xi32>
    %select_n3A_58 = arith.select %lt3A_45, %select_n3A_57, %select_n3A_38 : vector<256x128xi1>, vector<256x128xi32>
    %select_n3A_59 = arith.select %lt3A_44, %slice3A_43, %select_n3A_39 : vector<256x128xi1>, vector<256x128xf32>
    %jit3A_60 = arith.constant 1 : i32
    %broadcast_in_dim3A_61 = vector.broadcast %jit3A_60 : i32 to vector<256x128xi32>
    %select_n3A_62 = arith.select %lt3A_44, %broadcast_in_dim3A_61, %select_n3A_42 : vector<256x128xi1>, vector<256x128xi32>
    %slice3A_63 = vector.extract_strided_slice %sub3A {offsets = [0, 256], sizes = [256, 128], strides = [1, 1]} : vector<256x4096xf32> to vector<256x128xf32>
    %lt3A_64 = arith.cmpf olt, %slice3A_63, %select_n3A_59 : vector<256x128xf32>
    %lt3A_65 = arith.cmpf olt, %slice3A_63, %select_n3A_54 : vector<256x128xf32>
    %lt3A_66 = arith.cmpf olt, %slice3A_63, %select_n3A_48 : vector<256x128xf32>
    %select_n3A_67 = arith.select %lt3A_65, %select_n3A_54, %slice3A_63 : vector<256x128xi1>, vector<256x128xf32>
    %select_n3A_68 = arith.select %lt3A_66, %select_n3A_67, %select_n3A_48 : vector<256x128xi1>, vector<256x128xf32>
    %jit3A_69 = arith.constant 2 : i32
    %broadcast_in_dim3A_70 = vector.broadcast %jit3A_69 : i32 to vector<256x128xi32>
    %select_n3A_71 = arith.select %lt3A_65, %select_n3A_58, %broadcast_in_dim3A_70 : vector<256x128xi1>, vector<256x128xi32>
    %select_n3A_72 = arith.select %lt3A_66, %select_n3A_71, %select_n3A_52 : vector<256x128xi1>, vector<256x128xi32>
    %select_n3A_73 = arith.select %lt3A_64, %select_n3A_59, %slice3A_63 : vector<256x128xi1>, vector<256x128xf32>
    %select_n3A_74 = arith.select %lt3A_65, %select_n3A_73, %select_n3A_54 : vector<256x128xi1>, vector<256x128xf32>
    %jit3A_75 = arith.constant 2 : i32
    %broadcast_in_dim3A_76 = vector.broadcast %jit3A_75 : i32 to vector<256x128xi32>
    %select_n3A_77 = arith.select %lt3A_64, %select_n3A_62, %broadcast_in_dim3A_76 : vector<256x128xi1>, vector<256x128xi32>
    %select_n3A_78 = arith.select %lt3A_65, %select_n3A_77, %select_n3A_58 : vector<256x128xi1>, vector<256x128xi32>
    %select_n3A_79 = arith.select %lt3A_64, %slice3A_63, %select_n3A_59 : vector<256x128xi1>, vector<256x128xf32>
    %jit3A_80 = arith.constant 2 : i32
    %broadcast_in_dim3A_81 = vector.broadcast %jit3A_80 : i32 to vector<256x128xi32>
    %select_n3A_82 = arith.select %lt3A_64, %broadcast_in_dim3A_81, %select_n3A_62 : vector<256x128xi1>, vector<256x128xi32>
    %slice3A_83 = vector.extract_strided_slice %sub3A {offsets = [0, 384], sizes = [256, 128], strides = [1, 1]} : vector<256x4096xf32> to vector<256x128xf32>
    %lt3A_84 = arith.cmpf olt, %slice3A_83, %select_n3A_79 : vector<256x128xf32>
    %lt3A_85 = arith.cmpf olt, %slice3A_83, %select_n3A_74 : vector<256x128xf32>
    %lt3A_86 = arith.cmpf olt, %slice3A_83, %select_n3A_68 : vector<256x128xf32>
    %select_n3A_87 = arith.select %lt3A_85, %select_n3A_74, %slice3A_83 : vector<256x128xi1>, vector<256x128xf32>
    %select_n3A_88 = arith.select %lt3A_86, %select_n3A_87, %select_n3A_68 : vector<256x128xi1>, vector<256x128xf32>
    %jit3A_89 = arith.constant 3 : i32
    %broadcast_in_dim3A_90 = vector.broadcast %jit3A_89 : i32 to vector<256x128xi32>
    %select_n3A_91 = arith.select %lt3A_85, %select_n3A_78, %broadcast_in_dim3A_90 : vector<256x128xi1>, vector<256x128xi32>
    %select_n3A_92 = arith.select %lt3A_86, %select_n3A_91, %select_n3A_72 : vector<256x128xi1>, vector<256x128xi32>
    %select_n3A_93 = arith.select %lt3A_84, %select_n3A_79, %slice3A_83 : vector<256x128xi1>, vector<256x128xf32>
    %select_n3A_94 = arith.select %lt3A_85, %select_n3A_93, %select_n3A_74 : vector<256x128xi1>, vector<256x128xf32>
    %jit3A_95 = arith.constant 3 : i32
    %broadcast_in_dim3A_96 = vector.broadcast %jit3A_95 : i32 to vector<256x128xi32>
    %select_n3A_97 = arith.select %lt3A_84, %select_n3A_82, %broadcast_in_dim3A_96 : vector<256x128xi1>, vector<256x128xi32>
    %select_n3A_98 = arith.select %lt3A_85, %select_n3A_97, %select_n3A_78 : vector<256x128xi1>, vector<256x128xi32>
    %select_n3A_99 = arith.select %lt3A_84, %slice3A_83, %select_n3A_79 : vector<256x128xi1>, vector<256x128xf32>
    %jit3A_100 = arith.constant 3 : i32
    %broadcast_in_dim3A_101 = vector.broadcast %jit3A_100 : i32 to vector<256x128xi32>
    %select_n3A_102 = arith.select %lt3A_84, %broadcast_in_dim3A_101, %select_n3A_82 : vector<256x128xi1>, vector<256x128xi32>
    %slice3A_103 = vector.extract_strided_slice %sub3A {offsets = [0, 512], sizes = [256, 128], strides = [1, 1]} : vector<256x4096xf32> to vector<256x128xf32>
    %lt3A_104 = arith.cmpf olt, %slice3A_103, %select_n3A_99 : vector<256x128xf32>
    %lt3A_105 = arith.cmpf olt, %slice3A_103, %select_n3A_94 : vector<256x128xf32>
    %lt3A_106 = arith.cmpf olt, %slice3A_103, %select_n3A_88 : vector<256x128xf32>
    %select_n3A_107 = arith.select %lt3A_105, %select_n3A_94, %slice3A_103 : vector<256x128xi1>, vector<256x128xf32>
    %select_n3A_108 = arith.select %lt3A_106, %select_n3A_107, %select_n3A_88 : vector<256x128xi1>, vector<256x128xf32>
    %jit3A_109 = arith.constant 4 : i32
    %broadcast_in_dim3A_110 = vector.broadcast %jit3A_109 : i32 to vector<256x128xi32>
    %select_n3A_111 = arith.select %lt3A_105, %select_n3A_98, %broadcast_in_dim3A_110 : vector<256x128xi1>, vector<256x128xi32>
    %select_n3A_112 = arith.select %lt3A_106, %select_n3A_111, %select_n3A_92 : vector<256x128xi1>, vector<256x128xi32>
    %select_n3A_113 = arith.select %lt3A_104, %select_n3A_99, %slice3A_103 : vector<256x128xi1>, vector<256x128xf32>
    %select_n3A_114 = arith.select %lt3A_105, %select_n3A_113, %select_n3A_94 : vector<256x128xi1>, vector<256x128xf32>
    %jit3A_115 = arith.constant 4 : i32
    %broadcast_in_dim3A_116 = vector.broadcast %jit3A_115 : i32 to vector<256x128xi32>
    %select_n3A_117 = arith.select %lt3A_104, %select_n3A_102, %broadcast_in_dim3A_116 : vector<256x128xi1>, vector<256x128xi32>
    %select_n3A_118 = arith.select %lt3A_105, %select_n3A_117, %select_n3A_98 : vector<256x128xi1>, vector<256x128xi32>
    %select_n3A_119 = arith.select %lt3A_104, %slice3A_103, %select_n3A_99 : vector<256x128xi1>, vector<256x128xf32>
    %jit3A_120 = arith.constant 4 : i32
    %broadcast_in_dim3A_121 = vector.broadcast %jit3A_120 : i32 to vector<256x128xi32>
    %select_n3A_122 = arith.select %lt3A_104, %broadcast_in_dim3A_121, %select_n3A_102 : vector<256x128xi1>, vector<256x128xi32>
    %slice3A_123 = vector.extract_strided_slice %sub3A {offsets = [0, 640], sizes = [256, 128], strides = [1, 1]} : vector<256x4096xf32> to vector<256x128xf32>
    %lt3A_124 = arith.cmpf olt, %slice3A_123, %select_n3A_119 : vector<256x128xf32>
    %lt3A_125 = arith.cmpf olt, %slice3A_123, %select_n3A_114 : vector<256x128xf32>
    %lt3A_126 = arith.cmpf olt, %slice3A_123, %select_n3A_108 : vector<256x128xf32>
    %select_n3A_127 = arith.select %lt3A_125, %select_n3A_114, %slice3A_123 : vector<256x128xi1>, vector<256x128xf32>
    %select_n3A_128 = arith.select %lt3A_126, %select_n3A_127, %select_n3A_108 : vector<256x128xi1>, vector<256x128xf32>
    %jit3A_129 = arith.constant 5 : i32
    %broadcast_in_dim3A_130 = vector.broadcast %jit3A_129 : i32 to vector<256x128xi32>
    %select_n3A_131 = arith.select %lt3A_125, %select_n3A_118, %broadcast_in_dim3A_130 : vector<256x128xi1>, vector<256x128xi32>
    %select_n3A_132 = arith.select %lt3A_126, %select_n3A_131, %select_n3A_112 : vector<256x128xi1>, vector<256x128xi32>
    %select_n3A_133 = arith.select %lt3A_124, %select_n3A_119, %slice3A_123 : vector<256x128xi1>, vector<256x128xf32>
    %select_n3A_134 = arith.select %lt3A_125, %select_n3A_133, %select_n3A_114 : vector<256x128xi1>, vector<256x128xf32>
    %jit3A_135 = arith.constant 5 : i32
    %broadcast_in_dim3A_136 = vector.broadcast %jit3A_135 : i32 to vector<256x128xi32>
    %select_n3A_137 = arith.select %lt3A_124, %select_n3A_122, %broadcast_in_dim3A_136 : vector<256x128xi1>, vector<256x128xi32>
    %select_n3A_138 = arith.select %lt3A_125, %select_n3A_137, %select_n3A_118 : vector<256x128xi1>, vector<256x128xi32>
    %select_n3A_139 = arith.select %lt3A_124, %slice3A_123, %select_n3A_119 : vector<256x128xi1>, vector<256x128xf32>
    %jit3A_140 = arith.constant 5 : i32
    %broadcast_in_dim3A_141 = vector.broadcast %jit3A_140 : i32 to vector<256x128xi32>
    %select_n3A_142 = arith.select %lt3A_124, %broadcast_in_dim3A_141, %select_n3A_122 : vector<256x128xi1>, vector<256x128xi32>
    %slice3A_143 = vector.extract_strided_slice %sub3A {offsets = [0, 768], sizes = [256, 128], strides = [1, 1]} : vector<256x4096xf32> to vector<256x128xf32>
    %lt3A_144 = arith.cmpf olt, %slice3A_143, %select_n3A_139 : vector<256x128xf32>
    %lt3A_145 = arith.cmpf olt, %slice3A_143, %select_n3A_134 : vector<256x128xf32>
    %lt3A_146 = arith.cmpf olt, %slice3A_143, %select_n3A_128 : vector<256x128xf32>
    %select_n3A_147 = arith.select %lt3A_145, %select_n3A_134, %slice3A_143 : vector<256x128xi1>, vector<256x128xf32>
    %select_n3A_148 = arith.select %lt3A_146, %select_n3A_147, %select_n3A_128 : vector<256x128xi1>, vector<256x128xf32>
    %jit3A_149 = arith.constant 6 : i32
    %broadcast_in_dim3A_150 = vector.broadcast %jit3A_149 : i32 to vector<256x128xi32>
    %select_n3A_151 = arith.select %lt3A_145, %select_n3A_138, %broadcast_in_dim3A_150 : vector<256x128xi1>, vector<256x128xi32>
    %select_n3A_152 = arith.select %lt3A_146, %select_n3A_151, %select_n3A_132 : vector<256x128xi1>, vector<256x128xi32>
    %select_n3A_153 = arith.select %lt3A_144, %select_n3A_139, %slice3A_143 : vector<256x128xi1>, vector<256x128xf32>
    %select_n3A_154 = arith.select %lt3A_145, %select_n3A_153, %select_n3A_134 : vector<256x128xi1>, vector<256x128xf32>
    %jit3A_155 = arith.constant 6 : i32
    %broadcast_in_dim3A_156 = vector.broadcast %jit3A_155 : i32 to vector<256x128xi32>
    %select_n3A_157 = arith.select %lt3A_144, %select_n3A_142, %broadcast_in_dim3A_156 : vector<256x128xi1>, vector<256x128xi32>
    %select_n3A_158 = arith.select %lt3A_145, %select_n3A_157, %select_n3A_138 : vector<256x128xi1>, vector<256x128xi32>
    %select_n3A_159 = arith.select %lt3A_144, %slice3A_143, %select_n3A_139 : vector<256x128xi1>, vector<256x128xf32>
    %jit3A_160 = arith.constant 6 : i32
    %broadcast_in_dim3A_161 = vector.broadcast %jit3A_160 : i32 to vector<256x128xi32>
    %select_n3A_162 = arith.select %lt3A_144, %broadcast_in_dim3A_161, %select_n3A_142 : vector<256x128xi1>, vector<256x128xi32>
    %slice3A_163 = vector.extract_strided_slice %sub3A {offsets = [0, 896], sizes = [256, 128], strides = [1, 1]} : vector<256x4096xf32> to vector<256x128xf32>
    %lt3A_164 = arith.cmpf olt, %slice3A_163, %select_n3A_159 : vector<256x128xf32>
    %lt3A_165 = arith.cmpf olt, %slice3A_163, %select_n3A_154 : vector<256x128xf32>
    %lt3A_166 = arith.cmpf olt, %slice3A_163, %select_n3A_148 : vector<256x128xf32>
    %select_n3A_167 = arith.select %lt3A_165, %select_n3A_154, %slice3A_163 : vector<256x128xi1>, vector<256x128xf32>
    %select_n3A_168 = arith.select %lt3A_166, %select_n3A_167, %select_n3A_148 : vector<256x128xi1>, vector<256x128xf32>
    %jit3A_169 = arith.constant 7 : i32
    %broadcast_in_dim3A_170 = vector.broadcast %jit3A_169 : i32 to vector<256x128xi32>
    %select_n3A_171 = arith.select %lt3A_165, %select_n3A_158, %broadcast_in_dim3A_170 : vector<256x128xi1>, vector<256x128xi32>
    %select_n3A_172 = arith.select %lt3A_166, %select_n3A_171, %select_n3A_152 : vector<256x128xi1>, vector<256x128xi32>
    %select_n3A_173 = arith.select %lt3A_164, %select_n3A_159, %slice3A_163 : vector<256x128xi1>, vector<256x128xf32>
    %select_n3A_174 = arith.select %lt3A_165, %select_n3A_173, %select_n3A_154 : vector<256x128xi1>, vector<256x128xf32>
    %jit3A_175 = arith.constant 7 : i32
    %broadcast_in_dim3A_176 = vector.broadcast %jit3A_175 : i32 to vector<256x128xi32>
    %select_n3A_177 = arith.select %lt3A_164, %select_n3A_162, %broadcast_in_dim3A_176 : vector<256x128xi1>, vector<256x128xi32>
    %select_n3A_178 = arith.select %lt3A_165, %select_n3A_177, %select_n3A_158 : vector<256x128xi1>, vector<256x128xi32>
    %select_n3A_179 = arith.select %lt3A_164, %slice3A_163, %select_n3A_159 : vector<256x128xi1>, vector<256x128xf32>
    %jit3A_180 = arith.constant 7 : i32
    %broadcast_in_dim3A_181 = vector.broadcast %jit3A_180 : i32 to vector<256x128xi32>
    %select_n3A_182 = arith.select %lt3A_164, %broadcast_in_dim3A_181, %select_n3A_162 : vector<256x128xi1>, vector<256x128xi32>
    %slice3A_183 = vector.extract_strided_slice %sub3A {offsets = [0, 1024], sizes = [256, 128], strides = [1, 1]} : vector<256x4096xf32> to vector<256x128xf32>
    %lt3A_184 = arith.cmpf olt, %slice3A_183, %select_n3A_179 : vector<256x128xf32>
    %lt3A_185 = arith.cmpf olt, %slice3A_183, %select_n3A_174 : vector<256x128xf32>
    %lt3A_186 = arith.cmpf olt, %slice3A_183, %select_n3A_168 : vector<256x128xf32>
    %select_n3A_187 = arith.select %lt3A_185, %select_n3A_174, %slice3A_183 : vector<256x128xi1>, vector<256x128xf32>
    %select_n3A_188 = arith.select %lt3A_186, %select_n3A_187, %select_n3A_168 : vector<256x128xi1>, vector<256x128xf32>
    %jit3A_189 = arith.constant 8 : i32
    %broadcast_in_dim3A_190 = vector.broadcast %jit3A_189 : i32 to vector<256x128xi32>
    %select_n3A_191 = arith.select %lt3A_185, %select_n3A_178, %broadcast_in_dim3A_190 : vector<256x128xi1>, vector<256x128xi32>
    %select_n3A_192 = arith.select %lt3A_186, %select_n3A_191, %select_n3A_172 : vector<256x128xi1>, vector<256x128xi32>
    %select_n3A_193 = arith.select %lt3A_184, %select_n3A_179, %slice3A_183 : vector<256x128xi1>, vector<256x128xf32>
    %select_n3A_194 = arith.select %lt3A_185, %select_n3A_193, %select_n3A_174 : vector<256x128xi1>, vector<256x128xf32>
    %jit3A_195 = arith.constant 8 : i32
    %broadcast_in_dim3A_196 = vector.broadcast %jit3A_195 : i32 to vector<256x128xi32>
    %select_n3A_197 = arith.select %lt3A_184, %select_n3A_182, %broadcast_in_dim3A_196 : vector<256x128xi1>, vector<256x128xi32>
    %select_n3A_198 = arith.select %lt3A_185, %select_n3A_197, %select_n3A_178 : vector<256x128xi1>, vector<256x128xi32>
    %select_n3A_199 = arith.select %lt3A_184, %slice3A_183, %select_n3A_179 : vector<256x128xi1>, vector<256x128xf32>
    %jit3A_200 = arith.constant 8 : i32
    %broadcast_in_dim3A_201 = vector.broadcast %jit3A_200 : i32 to vector<256x128xi32>
    %select_n3A_202 = arith.select %lt3A_184, %broadcast_in_dim3A_201, %select_n3A_182 : vector<256x128xi1>, vector<256x128xi32>
    %slice3A_203 = vector.extract_strided_slice %sub3A {offsets = [0, 1152], sizes = [256, 128], strides = [1, 1]} : vector<256x4096xf32> to vector<256x128xf32>
    %lt3A_204 = arith.cmpf olt, %slice3A_203, %select_n3A_199 : vector<256x128xf32>
    %lt3A_205 = arith.cmpf olt, %slice3A_203, %select_n3A_194 : vector<256x128xf32>
    %lt3A_206 = arith.cmpf olt, %slice3A_203, %select_n3A_188 : vector<256x128xf32>
    %select_n3A_207 = arith.select %lt3A_205, %select_n3A_194, %slice3A_203 : vector<256x128xi1>, vector<256x128xf32>
    %select_n3A_208 = arith.select %lt3A_206, %select_n3A_207, %select_n3A_188 : vector<256x128xi1>, vector<256x128xf32>
    %jit3A_209 = arith.constant 9 : i32
    %broadcast_in_dim3A_210 = vector.broadcast %jit3A_209 : i32 to vector<256x128xi32>
    %select_n3A_211 = arith.select %lt3A_205, %select_n3A_198, %broadcast_in_dim3A_210 : vector<256x128xi1>, vector<256x128xi32>
    %select_n3A_212 = arith.select %lt3A_206, %select_n3A_211, %select_n3A_192 : vector<256x128xi1>, vector<256x128xi32>
    %select_n3A_213 = arith.select %lt3A_204, %select_n3A_199, %slice3A_203 : vector<256x128xi1>, vector<256x128xf32>
    %select_n3A_214 = arith.select %lt3A_205, %select_n3A_213, %select_n3A_194 : vector<256x128xi1>, vector<256x128xf32>
    %jit3A_215 = arith.constant 9 : i32
    %broadcast_in_dim3A_216 = vector.broadcast %jit3A_215 : i32 to vector<256x128xi32>
    %select_n3A_217 = arith.select %lt3A_204, %select_n3A_202, %broadcast_in_dim3A_216 : vector<256x128xi1>, vector<256x128xi32>
    %select_n3A_218 = arith.select %lt3A_205, %select_n3A_217, %select_n3A_198 : vector<256x128xi1>, vector<256x128xi32>
    %select_n3A_219 = arith.select %lt3A_204, %slice3A_203, %select_n3A_199 : vector<256x128xi1>, vector<256x128xf32>
    %jit3A_220 = arith.constant 9 : i32
    %broadcast_in_dim3A_221 = vector.broadcast %jit3A_220 : i32 to vector<256x128xi32>
    %select_n3A_222 = arith.select %lt3A_204, %broadcast_in_dim3A_221, %select_n3A_202 : vector<256x128xi1>, vector<256x128xi32>
    %slice3A_223 = vector.extract_strided_slice %sub3A {offsets = [0, 1280], sizes = [256, 128], strides = [1, 1]} : vector<256x4096xf32> to vector<256x128xf32>
    %lt3A_224 = arith.cmpf olt, %slice3A_223, %select_n3A_219 : vector<256x128xf32>
    %lt3A_225 = arith.cmpf olt, %slice3A_223, %select_n3A_214 : vector<256x128xf32>
    %lt3A_226 = arith.cmpf olt, %slice3A_223, %select_n3A_208 : vector<256x128xf32>
    %select_n3A_227 = arith.select %lt3A_225, %select_n3A_214, %slice3A_223 : vector<256x128xi1>, vector<256x128xf32>
    %select_n3A_228 = arith.select %lt3A_226, %select_n3A_227, %select_n3A_208 : vector<256x128xi1>, vector<256x128xf32>
    %jit3A_229 = arith.constant 10 : i32
    %broadcast_in_dim3A_230 = vector.broadcast %jit3A_229 : i32 to vector<256x128xi32>
    %select_n3A_231 = arith.select %lt3A_225, %select_n3A_218, %broadcast_in_dim3A_230 : vector<256x128xi1>, vector<256x128xi32>
    %select_n3A_232 = arith.select %lt3A_226, %select_n3A_231, %select_n3A_212 : vector<256x128xi1>, vector<256x128xi32>
    %select_n3A_233 = arith.select %lt3A_224, %select_n3A_219, %slice3A_223 : vector<256x128xi1>, vector<256x128xf32>
    %select_n3A_234 = arith.select %lt3A_225, %select_n3A_233, %select_n3A_214 : vector<256x128xi1>, vector<256x128xf32>
    %jit3A_235 = arith.constant 10 : i32
    %broadcast_in_dim3A_236 = vector.broadcast %jit3A_235 : i32 to vector<256x128xi32>
    %select_n3A_237 = arith.select %lt3A_224, %select_n3A_222, %broadcast_in_dim3A_236 : vector<256x128xi1>, vector<256x128xi32>
    %select_n3A_238 = arith.select %lt3A_225, %select_n3A_237, %select_n3A_218 : vector<256x128xi1>, vector<256x128xi32>
    %select_n3A_239 = arith.select %lt3A_224, %slice3A_223, %select_n3A_219 : vector<256x128xi1>, vector<256x128xf32>
    %jit3A_240 = arith.constant 10 : i32
    %broadcast_in_dim3A_241 = vector.broadcast %jit3A_240 : i32 to vector<256x128xi32>
    %select_n3A_242 = arith.select %lt3A_224, %broadcast_in_dim3A_241, %select_n3A_222 : vector<256x128xi1>, vector<256x128xi32>
    %slice3A_243 = vector.extract_strided_slice %sub3A {offsets = [0, 1408], sizes = [256, 128], strides = [1, 1]} : vector<256x4096xf32> to vector<256x128xf32>
    %lt3A_244 = arith.cmpf olt, %slice3A_243, %select_n3A_239 : vector<256x128xf32>
    %lt3A_245 = arith.cmpf olt, %slice3A_243, %select_n3A_234 : vector<256x128xf32>
    %lt3A_246 = arith.cmpf olt, %slice3A_243, %select_n3A_228 : vector<256x128xf32>
    %select_n3A_247 = arith.select %lt3A_245, %select_n3A_234, %slice3A_243 : vector<256x128xi1>, vector<256x128xf32>
    %select_n3A_248 = arith.select %lt3A_246, %select_n3A_247, %select_n3A_228 : vector<256x128xi1>, vector<256x128xf32>
    %jit3A_249 = arith.constant 11 : i32
    %broadcast_in_dim3A_250 = vector.broadcast %jit3A_249 : i32 to vector<256x128xi32>
    %select_n3A_251 = arith.select %lt3A_245, %select_n3A_238, %broadcast_in_dim3A_250 : vector<256x128xi1>, vector<256x128xi32>
    %select_n3A_252 = arith.select %lt3A_246, %select_n3A_251, %select_n3A_232 : vector<256x128xi1>, vector<256x128xi32>
    %select_n3A_253 = arith.select %lt3A_244, %select_n3A_239, %slice3A_243 : vector<256x128xi1>, vector<256x128xf32>
    %select_n3A_254 = arith.select %lt3A_245, %select_n3A_253, %select_n3A_234 : vector<256x128xi1>, vector<256x128xf32>
    %jit3A_255 = arith.constant 11 : i32
    %broadcast_in_dim3A_256 = vector.broadcast %jit3A_255 : i32 to vector<256x128xi32>
    %select_n3A_257 = arith.select %lt3A_244, %select_n3A_242, %broadcast_in_dim3A_256 : vector<256x128xi1>, vector<256x128xi32>
    %select_n3A_258 = arith.select %lt3A_245, %select_n3A_257, %select_n3A_238 : vector<256x128xi1>, vector<256x128xi32>
    %select_n3A_259 = arith.select %lt3A_244, %slice3A_243, %select_n3A_239 : vector<256x128xi1>, vector<256x128xf32>
    %jit3A_260 = arith.constant 11 : i32
    %broadcast_in_dim3A_261 = vector.broadcast %jit3A_260 : i32 to vector<256x128xi32>
    %select_n3A_262 = arith.select %lt3A_244, %broadcast_in_dim3A_261, %select_n3A_242 : vector<256x128xi1>, vector<256x128xi32>
    %slice3A_263 = vector.extract_strided_slice %sub3A {offsets = [0, 1536], sizes = [256, 128], strides = [1, 1]} : vector<256x4096xf32> to vector<256x128xf32>
    %lt3A_264 = arith.cmpf olt, %slice3A_263, %select_n3A_259 : vector<256x128xf32>
    %lt3A_265 = arith.cmpf olt, %slice3A_263, %select_n3A_254 : vector<256x128xf32>
    %lt3A_266 = arith.cmpf olt, %slice3A_263, %select_n3A_248 : vector<256x128xf32>
    %select_n3A_267 = arith.select %lt3A_265, %select_n3A_254, %slice3A_263 : vector<256x128xi1>, vector<256x128xf32>
    %select_n3A_268 = arith.select %lt3A_266, %select_n3A_267, %select_n3A_248 : vector<256x128xi1>, vector<256x128xf32>
    %jit3A_269 = arith.constant 12 : i32
    %broadcast_in_dim3A_270 = vector.broadcast %jit3A_269 : i32 to vector<256x128xi32>
    %select_n3A_271 = arith.select %lt3A_265, %select_n3A_258, %broadcast_in_dim3A_270 : vector<256x128xi1>, vector<256x128xi32>
    %select_n3A_272 = arith.select %lt3A_266, %select_n3A_271, %select_n3A_252 : vector<256x128xi1>, vector<256x128xi32>
    %select_n3A_273 = arith.select %lt3A_264, %select_n3A_259, %slice3A_263 : vector<256x128xi1>, vector<256x128xf32>
    %select_n3A_274 = arith.select %lt3A_265, %select_n3A_273, %select_n3A_254 : vector<256x128xi1>, vector<256x128xf32>
    %jit3A_275 = arith.constant 12 : i32
    %broadcast_in_dim3A_276 = vector.broadcast %jit3A_275 : i32 to vector<256x128xi32>
    %select_n3A_277 = arith.select %lt3A_264, %select_n3A_262, %broadcast_in_dim3A_276 : vector<256x128xi1>, vector<256x128xi32>
    %select_n3A_278 = arith.select %lt3A_265, %select_n3A_277, %select_n3A_258 : vector<256x128xi1>, vector<256x128xi32>
    %select_n3A_279 = arith.select %lt3A_264, %slice3A_263, %select_n3A_259 : vector<256x128xi1>, vector<256x128xf32>
    %jit3A_280 = arith.constant 12 : i32
    %broadcast_in_dim3A_281 = vector.broadcast %jit3A_280 : i32 to vector<256x128xi32>
    %select_n3A_282 = arith.select %lt3A_264, %broadcast_in_dim3A_281, %select_n3A_262 : vector<256x128xi1>, vector<256x128xi32>
    %slice3A_283 = vector.extract_strided_slice %sub3A {offsets = [0, 1664], sizes = [256, 128], strides = [1, 1]} : vector<256x4096xf32> to vector<256x128xf32>
    %lt3A_284 = arith.cmpf olt, %slice3A_283, %select_n3A_279 : vector<256x128xf32>
    %lt3A_285 = arith.cmpf olt, %slice3A_283, %select_n3A_274 : vector<256x128xf32>
    %lt3A_286 = arith.cmpf olt, %slice3A_283, %select_n3A_268 : vector<256x128xf32>
    %select_n3A_287 = arith.select %lt3A_285, %select_n3A_274, %slice3A_283 : vector<256x128xi1>, vector<256x128xf32>
    %select_n3A_288 = arith.select %lt3A_286, %select_n3A_287, %select_n3A_268 : vector<256x128xi1>, vector<256x128xf32>
    %jit3A_289 = arith.constant 13 : i32
    %broadcast_in_dim3A_290 = vector.broadcast %jit3A_289 : i32 to vector<256x128xi32>
    %select_n3A_291 = arith.select %lt3A_285, %select_n3A_278, %broadcast_in_dim3A_290 : vector<256x128xi1>, vector<256x128xi32>
    %select_n3A_292 = arith.select %lt3A_286, %select_n3A_291, %select_n3A_272 : vector<256x128xi1>, vector<256x128xi32>
    %select_n3A_293 = arith.select %lt3A_284, %select_n3A_279, %slice3A_283 : vector<256x128xi1>, vector<256x128xf32>
    %select_n3A_294 = arith.select %lt3A_285, %select_n3A_293, %select_n3A_274 : vector<256x128xi1>, vector<256x128xf32>
    %jit3A_295 = arith.constant 13 : i32
    %broadcast_in_dim3A_296 = vector.broadcast %jit3A_295 : i32 to vector<256x128xi32>
    %select_n3A_297 = arith.select %lt3A_284, %select_n3A_282, %broadcast_in_dim3A_296 : vector<256x128xi1>, vector<256x128xi32>
    %select_n3A_298 = arith.select %lt3A_285, %select_n3A_297, %select_n3A_278 : vector<256x128xi1>, vector<256x128xi32>
    %select_n3A_299 = arith.select %lt3A_284, %slice3A_283, %select_n3A_279 : vector<256x128xi1>, vector<256x128xf32>
    %jit3A_300 = arith.constant 13 : i32
    %broadcast_in_dim3A_301 = vector.broadcast %jit3A_300 : i32 to vector<256x128xi32>
    %select_n3A_302 = arith.select %lt3A_284, %broadcast_in_dim3A_301, %select_n3A_282 : vector<256x128xi1>, vector<256x128xi32>
    %slice3A_303 = vector.extract_strided_slice %sub3A {offsets = [0, 1792], sizes = [256, 128], strides = [1, 1]} : vector<256x4096xf32> to vector<256x128xf32>
    %lt3A_304 = arith.cmpf olt, %slice3A_303, %select_n3A_299 : vector<256x128xf32>
    %lt3A_305 = arith.cmpf olt, %slice3A_303, %select_n3A_294 : vector<256x128xf32>
    %lt3A_306 = arith.cmpf olt, %slice3A_303, %select_n3A_288 : vector<256x128xf32>
    %select_n3A_307 = arith.select %lt3A_305, %select_n3A_294, %slice3A_303 : vector<256x128xi1>, vector<256x128xf32>
    %select_n3A_308 = arith.select %lt3A_306, %select_n3A_307, %select_n3A_288 : vector<256x128xi1>, vector<256x128xf32>
    %jit3A_309 = arith.constant 14 : i32
    %broadcast_in_dim3A_310 = vector.broadcast %jit3A_309 : i32 to vector<256x128xi32>
    %select_n3A_311 = arith.select %lt3A_305, %select_n3A_298, %broadcast_in_dim3A_310 : vector<256x128xi1>, vector<256x128xi32>
    %select_n3A_312 = arith.select %lt3A_306, %select_n3A_311, %select_n3A_292 : vector<256x128xi1>, vector<256x128xi32>
    %select_n3A_313 = arith.select %lt3A_304, %select_n3A_299, %slice3A_303 : vector<256x128xi1>, vector<256x128xf32>
    %select_n3A_314 = arith.select %lt3A_305, %select_n3A_313, %select_n3A_294 : vector<256x128xi1>, vector<256x128xf32>
    %jit3A_315 = arith.constant 14 : i32
    %broadcast_in_dim3A_316 = vector.broadcast %jit3A_315 : i32 to vector<256x128xi32>
    %select_n3A_317 = arith.select %lt3A_304, %select_n3A_302, %broadcast_in_dim3A_316 : vector<256x128xi1>, vector<256x128xi32>
    %select_n3A_318 = arith.select %lt3A_305, %select_n3A_317, %select_n3A_298 : vector<256x128xi1>, vector<256x128xi32>
    %select_n3A_319 = arith.select %lt3A_304, %slice3A_303, %select_n3A_299 : vector<256x128xi1>, vector<256x128xf32>
    %jit3A_320 = arith.constant 14 : i32
    %broadcast_in_dim3A_321 = vector.broadcast %jit3A_320 : i32 to vector<256x128xi32>
    %select_n3A_322 = arith.select %lt3A_304, %broadcast_in_dim3A_321, %select_n3A_302 : vector<256x128xi1>, vector<256x128xi32>
    %slice3A_323 = vector.extract_strided_slice %sub3A {offsets = [0, 1920], sizes = [256, 128], strides = [1, 1]} : vector<256x4096xf32> to vector<256x128xf32>
    %lt3A_324 = arith.cmpf olt, %slice3A_323, %select_n3A_319 : vector<256x128xf32>
    %lt3A_325 = arith.cmpf olt, %slice3A_323, %select_n3A_314 : vector<256x128xf32>
    %lt3A_326 = arith.cmpf olt, %slice3A_323, %select_n3A_308 : vector<256x128xf32>
    %select_n3A_327 = arith.select %lt3A_325, %select_n3A_314, %slice3A_323 : vector<256x128xi1>, vector<256x128xf32>
    %select_n3A_328 = arith.select %lt3A_326, %select_n3A_327, %select_n3A_308 : vector<256x128xi1>, vector<256x128xf32>
    %jit3A_329 = arith.constant 15 : i32
    %broadcast_in_dim3A_330 = vector.broadcast %jit3A_329 : i32 to vector<256x128xi32>
    %select_n3A_331 = arith.select %lt3A_325, %select_n3A_318, %broadcast_in_dim3A_330 : vector<256x128xi1>, vector<256x128xi32>
    %select_n3A_332 = arith.select %lt3A_326, %select_n3A_331, %select_n3A_312 : vector<256x128xi1>, vector<256x128xi32>
    %select_n3A_333 = arith.select %lt3A_324, %select_n3A_319, %slice3A_323 : vector<256x128xi1>, vector<256x128xf32>
    %select_n3A_334 = arith.select %lt3A_325, %select_n3A_333, %select_n3A_314 : vector<256x128xi1>, vector<256x128xf32>
    %jit3A_335 = arith.constant 15 : i32
    %broadcast_in_dim3A_336 = vector.broadcast %jit3A_335 : i32 to vector<256x128xi32>
    %select_n3A_337 = arith.select %lt3A_324, %select_n3A_322, %broadcast_in_dim3A_336 : vector<256x128xi1>, vector<256x128xi32>
    %select_n3A_338 = arith.select %lt3A_325, %select_n3A_337, %select_n3A_318 : vector<256x128xi1>, vector<256x128xi32>
    %select_n3A_339 = arith.select %lt3A_324, %slice3A_323, %select_n3A_319 : vector<256x128xi1>, vector<256x128xf32>
    %jit3A_340 = arith.constant 15 : i32
    %broadcast_in_dim3A_341 = vector.broadcast %jit3A_340 : i32 to vector<256x128xi32>
    %select_n3A_342 = arith.select %lt3A_324, %broadcast_in_dim3A_341, %select_n3A_322 : vector<256x128xi1>, vector<256x128xi32>
    %slice3A_343 = vector.extract_strided_slice %sub3A {offsets = [0, 2048], sizes = [256, 128], strides = [1, 1]} : vector<256x4096xf32> to vector<256x128xf32>
    %lt3A_344 = arith.cmpf olt, %slice3A_343, %select_n3A_339 : vector<256x128xf32>
    %lt3A_345 = arith.cmpf olt, %slice3A_343, %select_n3A_334 : vector<256x128xf32>
    %lt3A_346 = arith.cmpf olt, %slice3A_343, %select_n3A_328 : vector<256x128xf32>
    %select_n3A_347 = arith.select %lt3A_345, %select_n3A_334, %slice3A_343 : vector<256x128xi1>, vector<256x128xf32>
    %select_n3A_348 = arith.select %lt3A_346, %select_n3A_347, %select_n3A_328 : vector<256x128xi1>, vector<256x128xf32>
    %jit3A_349 = arith.constant 16 : i32
    %broadcast_in_dim3A_350 = vector.broadcast %jit3A_349 : i32 to vector<256x128xi32>
    %select_n3A_351 = arith.select %lt3A_345, %select_n3A_338, %broadcast_in_dim3A_350 : vector<256x128xi1>, vector<256x128xi32>
    %select_n3A_352 = arith.select %lt3A_346, %select_n3A_351, %select_n3A_332 : vector<256x128xi1>, vector<256x128xi32>
    %select_n3A_353 = arith.select %lt3A_344, %select_n3A_339, %slice3A_343 : vector<256x128xi1>, vector<256x128xf32>
    %select_n3A_354 = arith.select %lt3A_345, %select_n3A_353, %select_n3A_334 : vector<256x128xi1>, vector<256x128xf32>
    %jit3A_355 = arith.constant 16 : i32
    %broadcast_in_dim3A_356 = vector.broadcast %jit3A_355 : i32 to vector<256x128xi32>
    %select_n3A_357 = arith.select %lt3A_344, %select_n3A_342, %broadcast_in_dim3A_356 : vector<256x128xi1>, vector<256x128xi32>
    %select_n3A_358 = arith.select %lt3A_345, %select_n3A_357, %select_n3A_338 : vector<256x128xi1>, vector<256x128xi32>
    %select_n3A_359 = arith.select %lt3A_344, %slice3A_343, %select_n3A_339 : vector<256x128xi1>, vector<256x128xf32>
    %jit3A_360 = arith.constant 16 : i32
    %broadcast_in_dim3A_361 = vector.broadcast %jit3A_360 : i32 to vector<256x128xi32>
    %select_n3A_362 = arith.select %lt3A_344, %broadcast_in_dim3A_361, %select_n3A_342 : vector<256x128xi1>, vector<256x128xi32>
    %slice3A_363 = vector.extract_strided_slice %sub3A {offsets = [0, 2176], sizes = [256, 128], strides = [1, 1]} : vector<256x4096xf32> to vector<256x128xf32>
    %lt3A_364 = arith.cmpf olt, %slice3A_363, %select_n3A_359 : vector<256x128xf32>
    %lt3A_365 = arith.cmpf olt, %slice3A_363, %select_n3A_354 : vector<256x128xf32>
    %lt3A_366 = arith.cmpf olt, %slice3A_363, %select_n3A_348 : vector<256x128xf32>
    %select_n3A_367 = arith.select %lt3A_365, %select_n3A_354, %slice3A_363 : vector<256x128xi1>, vector<256x128xf32>
    %select_n3A_368 = arith.select %lt3A_366, %select_n3A_367, %select_n3A_348 : vector<256x128xi1>, vector<256x128xf32>
    %jit3A_369 = arith.constant 17 : i32
    %broadcast_in_dim3A_370 = vector.broadcast %jit3A_369 : i32 to vector<256x128xi32>
    %select_n3A_371 = arith.select %lt3A_365, %select_n3A_358, %broadcast_in_dim3A_370 : vector<256x128xi1>, vector<256x128xi32>
    %select_n3A_372 = arith.select %lt3A_366, %select_n3A_371, %select_n3A_352 : vector<256x128xi1>, vector<256x128xi32>
    %select_n3A_373 = arith.select %lt3A_364, %select_n3A_359, %slice3A_363 : vector<256x128xi1>, vector<256x128xf32>
    %select_n3A_374 = arith.select %lt3A_365, %select_n3A_373, %select_n3A_354 : vector<256x128xi1>, vector<256x128xf32>
    %jit3A_375 = arith.constant 17 : i32
    %broadcast_in_dim3A_376 = vector.broadcast %jit3A_375 : i32 to vector<256x128xi32>
    %select_n3A_377 = arith.select %lt3A_364, %select_n3A_362, %broadcast_in_dim3A_376 : vector<256x128xi1>, vector<256x128xi32>
    %select_n3A_378 = arith.select %lt3A_365, %select_n3A_377, %select_n3A_358 : vector<256x128xi1>, vector<256x128xi32>
    %select_n3A_379 = arith.select %lt3A_364, %slice3A_363, %select_n3A_359 : vector<256x128xi1>, vector<256x128xf32>
    %jit3A_380 = arith.constant 17 : i32
    %broadcast_in_dim3A_381 = vector.broadcast %jit3A_380 : i32 to vector<256x128xi32>
    %select_n3A_382 = arith.select %lt3A_364, %broadcast_in_dim3A_381, %select_n3A_362 : vector<256x128xi1>, vector<256x128xi32>
    %slice3A_383 = vector.extract_strided_slice %sub3A {offsets = [0, 2304], sizes = [256, 128], strides = [1, 1]} : vector<256x4096xf32> to vector<256x128xf32>
    %lt3A_384 = arith.cmpf olt, %slice3A_383, %select_n3A_379 : vector<256x128xf32>
    %lt3A_385 = arith.cmpf olt, %slice3A_383, %select_n3A_374 : vector<256x128xf32>
    %lt3A_386 = arith.cmpf olt, %slice3A_383, %select_n3A_368 : vector<256x128xf32>
    %select_n3A_387 = arith.select %lt3A_385, %select_n3A_374, %slice3A_383 : vector<256x128xi1>, vector<256x128xf32>
    %select_n3A_388 = arith.select %lt3A_386, %select_n3A_387, %select_n3A_368 : vector<256x128xi1>, vector<256x128xf32>
    %jit3A_389 = arith.constant 18 : i32
    %broadcast_in_dim3A_390 = vector.broadcast %jit3A_389 : i32 to vector<256x128xi32>
    %select_n3A_391 = arith.select %lt3A_385, %select_n3A_378, %broadcast_in_dim3A_390 : vector<256x128xi1>, vector<256x128xi32>
    %select_n3A_392 = arith.select %lt3A_386, %select_n3A_391, %select_n3A_372 : vector<256x128xi1>, vector<256x128xi32>
    %select_n3A_393 = arith.select %lt3A_384, %select_n3A_379, %slice3A_383 : vector<256x128xi1>, vector<256x128xf32>
    %select_n3A_394 = arith.select %lt3A_385, %select_n3A_393, %select_n3A_374 : vector<256x128xi1>, vector<256x128xf32>
    %jit3A_395 = arith.constant 18 : i32
    %broadcast_in_dim3A_396 = vector.broadcast %jit3A_395 : i32 to vector<256x128xi32>
    %select_n3A_397 = arith.select %lt3A_384, %select_n3A_382, %broadcast_in_dim3A_396 : vector<256x128xi1>, vector<256x128xi32>
    %select_n3A_398 = arith.select %lt3A_385, %select_n3A_397, %select_n3A_378 : vector<256x128xi1>, vector<256x128xi32>
    %select_n3A_399 = arith.select %lt3A_384, %slice3A_383, %select_n3A_379 : vector<256x128xi1>, vector<256x128xf32>
    %jit3A_400 = arith.constant 18 : i32
    %broadcast_in_dim3A_401 = vector.broadcast %jit3A_400 : i32 to vector<256x128xi32>
    %select_n3A_402 = arith.select %lt3A_384, %broadcast_in_dim3A_401, %select_n3A_382 : vector<256x128xi1>, vector<256x128xi32>
    %slice3A_403 = vector.extract_strided_slice %sub3A {offsets = [0, 2432], sizes = [256, 128], strides = [1, 1]} : vector<256x4096xf32> to vector<256x128xf32>
    %lt3A_404 = arith.cmpf olt, %slice3A_403, %select_n3A_399 : vector<256x128xf32>
    %lt3A_405 = arith.cmpf olt, %slice3A_403, %select_n3A_394 : vector<256x128xf32>
    %lt3A_406 = arith.cmpf olt, %slice3A_403, %select_n3A_388 : vector<256x128xf32>
    %select_n3A_407 = arith.select %lt3A_405, %select_n3A_394, %slice3A_403 : vector<256x128xi1>, vector<256x128xf32>
    %select_n3A_408 = arith.select %lt3A_406, %select_n3A_407, %select_n3A_388 : vector<256x128xi1>, vector<256x128xf32>
    %jit3A_409 = arith.constant 19 : i32
    %broadcast_in_dim3A_410 = vector.broadcast %jit3A_409 : i32 to vector<256x128xi32>
    %select_n3A_411 = arith.select %lt3A_405, %select_n3A_398, %broadcast_in_dim3A_410 : vector<256x128xi1>, vector<256x128xi32>
    %select_n3A_412 = arith.select %lt3A_406, %select_n3A_411, %select_n3A_392 : vector<256x128xi1>, vector<256x128xi32>
    %select_n3A_413 = arith.select %lt3A_404, %select_n3A_399, %slice3A_403 : vector<256x128xi1>, vector<256x128xf32>
    %select_n3A_414 = arith.select %lt3A_405, %select_n3A_413, %select_n3A_394 : vector<256x128xi1>, vector<256x128xf32>
    %jit3A_415 = arith.constant 19 : i32
    %broadcast_in_dim3A_416 = vector.broadcast %jit3A_415 : i32 to vector<256x128xi32>
    %select_n3A_417 = arith.select %lt3A_404, %select_n3A_402, %broadcast_in_dim3A_416 : vector<256x128xi1>, vector<256x128xi32>
    %select_n3A_418 = arith.select %lt3A_405, %select_n3A_417, %select_n3A_398 : vector<256x128xi1>, vector<256x128xi32>
    %select_n3A_419 = arith.select %lt3A_404, %slice3A_403, %select_n3A_399 : vector<256x128xi1>, vector<256x128xf32>
    %jit3A_420 = arith.constant 19 : i32
    %broadcast_in_dim3A_421 = vector.broadcast %jit3A_420 : i32 to vector<256x128xi32>
    %select_n3A_422 = arith.select %lt3A_404, %broadcast_in_dim3A_421, %select_n3A_402 : vector<256x128xi1>, vector<256x128xi32>
    %slice3A_423 = vector.extract_strided_slice %sub3A {offsets = [0, 2560], sizes = [256, 128], strides = [1, 1]} : vector<256x4096xf32> to vector<256x128xf32>
    %lt3A_424 = arith.cmpf olt, %slice3A_423, %select_n3A_419 : vector<256x128xf32>
    %lt3A_425 = arith.cmpf olt, %slice3A_423, %select_n3A_414 : vector<256x128xf32>
    %lt3A_426 = arith.cmpf olt, %slice3A_423, %select_n3A_408 : vector<256x128xf32>
    %select_n3A_427 = arith.select %lt3A_425, %select_n3A_414, %slice3A_423 : vector<256x128xi1>, vector<256x128xf32>
    %select_n3A_428 = arith.select %lt3A_426, %select_n3A_427, %select_n3A_408 : vector<256x128xi1>, vector<256x128xf32>
    %jit3A_429 = arith.constant 20 : i32
    %broadcast_in_dim3A_430 = vector.broadcast %jit3A_429 : i32 to vector<256x128xi32>
    %select_n3A_431 = arith.select %lt3A_425, %select_n3A_418, %broadcast_in_dim3A_430 : vector<256x128xi1>, vector<256x128xi32>
    %select_n3A_432 = arith.select %lt3A_426, %select_n3A_431, %select_n3A_412 : vector<256x128xi1>, vector<256x128xi32>
    %select_n3A_433 = arith.select %lt3A_424, %select_n3A_419, %slice3A_423 : vector<256x128xi1>, vector<256x128xf32>
    %select_n3A_434 = arith.select %lt3A_425, %select_n3A_433, %select_n3A_414 : vector<256x128xi1>, vector<256x128xf32>
    %jit3A_435 = arith.constant 20 : i32
    %broadcast_in_dim3A_436 = vector.broadcast %jit3A_435 : i32 to vector<256x128xi32>
    %select_n3A_437 = arith.select %lt3A_424, %select_n3A_422, %broadcast_in_dim3A_436 : vector<256x128xi1>, vector<256x128xi32>
    %select_n3A_438 = arith.select %lt3A_425, %select_n3A_437, %select_n3A_418 : vector<256x128xi1>, vector<256x128xi32>
    %select_n3A_439 = arith.select %lt3A_424, %slice3A_423, %select_n3A_419 : vector<256x128xi1>, vector<256x128xf32>
    %jit3A_440 = arith.constant 20 : i32
    %broadcast_in_dim3A_441 = vector.broadcast %jit3A_440 : i32 to vector<256x128xi32>
    %select_n3A_442 = arith.select %lt3A_424, %broadcast_in_dim3A_441, %select_n3A_422 : vector<256x128xi1>, vector<256x128xi32>
    %slice3A_443 = vector.extract_strided_slice %sub3A {offsets = [0, 2688], sizes = [256, 128], strides = [1, 1]} : vector<256x4096xf32> to vector<256x128xf32>
    %lt3A_444 = arith.cmpf olt, %slice3A_443, %select_n3A_439 : vector<256x128xf32>
    %lt3A_445 = arith.cmpf olt, %slice3A_443, %select_n3A_434 : vector<256x128xf32>
    %lt3A_446 = arith.cmpf olt, %slice3A_443, %select_n3A_428 : vector<256x128xf32>
    %select_n3A_447 = arith.select %lt3A_445, %select_n3A_434, %slice3A_443 : vector<256x128xi1>, vector<256x128xf32>
    %select_n3A_448 = arith.select %lt3A_446, %select_n3A_447, %select_n3A_428 : vector<256x128xi1>, vector<256x128xf32>
    %jit3A_449 = arith.constant 21 : i32
    %broadcast_in_dim3A_450 = vector.broadcast %jit3A_449 : i32 to vector<256x128xi32>
    %select_n3A_451 = arith.select %lt3A_445, %select_n3A_438, %broadcast_in_dim3A_450 : vector<256x128xi1>, vector<256x128xi32>
    %select_n3A_452 = arith.select %lt3A_446, %select_n3A_451, %select_n3A_432 : vector<256x128xi1>, vector<256x128xi32>
    %select_n3A_453 = arith.select %lt3A_444, %select_n3A_439, %slice3A_443 : vector<256x128xi1>, vector<256x128xf32>
    %select_n3A_454 = arith.select %lt3A_445, %select_n3A_453, %select_n3A_434 : vector<256x128xi1>, vector<256x128xf32>
    %jit3A_455 = arith.constant 21 : i32
    %broadcast_in_dim3A_456 = vector.broadcast %jit3A_455 : i32 to vector<256x128xi32>
    %select_n3A_457 = arith.select %lt3A_444, %select_n3A_442, %broadcast_in_dim3A_456 : vector<256x128xi1>, vector<256x128xi32>
    %select_n3A_458 = arith.select %lt3A_445, %select_n3A_457, %select_n3A_438 : vector<256x128xi1>, vector<256x128xi32>
    %select_n3A_459 = arith.select %lt3A_444, %slice3A_443, %select_n3A_439 : vector<256x128xi1>, vector<256x128xf32>
    %jit3A_460 = arith.constant 21 : i32
    %broadcast_in_dim3A_461 = vector.broadcast %jit3A_460 : i32 to vector<256x128xi32>
    %select_n3A_462 = arith.select %lt3A_444, %broadcast_in_dim3A_461, %select_n3A_442 : vector<256x128xi1>, vector<256x128xi32>
    %slice3A_463 = vector.extract_strided_slice %sub3A {offsets = [0, 2816], sizes = [256, 128], strides = [1, 1]} : vector<256x4096xf32> to vector<256x128xf32>
    %lt3A_464 = arith.cmpf olt, %slice3A_463, %select_n3A_459 : vector<256x128xf32>
    %lt3A_465 = arith.cmpf olt, %slice3A_463, %select_n3A_454 : vector<256x128xf32>
    %lt3A_466 = arith.cmpf olt, %slice3A_463, %select_n3A_448 : vector<256x128xf32>
    %select_n3A_467 = arith.select %lt3A_465, %select_n3A_454, %slice3A_463 : vector<256x128xi1>, vector<256x128xf32>
    %select_n3A_468 = arith.select %lt3A_466, %select_n3A_467, %select_n3A_448 : vector<256x128xi1>, vector<256x128xf32>
    %jit3A_469 = arith.constant 22 : i32
    %broadcast_in_dim3A_470 = vector.broadcast %jit3A_469 : i32 to vector<256x128xi32>
    %select_n3A_471 = arith.select %lt3A_465, %select_n3A_458, %broadcast_in_dim3A_470 : vector<256x128xi1>, vector<256x128xi32>
    %select_n3A_472 = arith.select %lt3A_466, %select_n3A_471, %select_n3A_452 : vector<256x128xi1>, vector<256x128xi32>
    %select_n3A_473 = arith.select %lt3A_464, %select_n3A_459, %slice3A_463 : vector<256x128xi1>, vector<256x128xf32>
    %select_n3A_474 = arith.select %lt3A_465, %select_n3A_473, %select_n3A_454 : vector<256x128xi1>, vector<256x128xf32>
    %jit3A_475 = arith.constant 22 : i32
    %broadcast_in_dim3A_476 = vector.broadcast %jit3A_475 : i32 to vector<256x128xi32>
    %select_n3A_477 = arith.select %lt3A_464, %select_n3A_462, %broadcast_in_dim3A_476 : vector<256x128xi1>, vector<256x128xi32>
    %select_n3A_478 = arith.select %lt3A_465, %select_n3A_477, %select_n3A_458 : vector<256x128xi1>, vector<256x128xi32>
    %select_n3A_479 = arith.select %lt3A_464, %slice3A_463, %select_n3A_459 : vector<256x128xi1>, vector<256x128xf32>
    %jit3A_480 = arith.constant 22 : i32
    %broadcast_in_dim3A_481 = vector.broadcast %jit3A_480 : i32 to vector<256x128xi32>
    %select_n3A_482 = arith.select %lt3A_464, %broadcast_in_dim3A_481, %select_n3A_462 : vector<256x128xi1>, vector<256x128xi32>
    %slice3A_483 = vector.extract_strided_slice %sub3A {offsets = [0, 2944], sizes = [256, 128], strides = [1, 1]} : vector<256x4096xf32> to vector<256x128xf32>
    %lt3A_484 = arith.cmpf olt, %slice3A_483, %select_n3A_479 : vector<256x128xf32>
    %lt3A_485 = arith.cmpf olt, %slice3A_483, %select_n3A_474 : vector<256x128xf32>
    %lt3A_486 = arith.cmpf olt, %slice3A_483, %select_n3A_468 : vector<256x128xf32>
    %select_n3A_487 = arith.select %lt3A_485, %select_n3A_474, %slice3A_483 : vector<256x128xi1>, vector<256x128xf32>
    %select_n3A_488 = arith.select %lt3A_486, %select_n3A_487, %select_n3A_468 : vector<256x128xi1>, vector<256x128xf32>
    %jit3A_489 = arith.constant 23 : i32
    %broadcast_in_dim3A_490 = vector.broadcast %jit3A_489 : i32 to vector<256x128xi32>
    %select_n3A_491 = arith.select %lt3A_485, %select_n3A_478, %broadcast_in_dim3A_490 : vector<256x128xi1>, vector<256x128xi32>
    %select_n3A_492 = arith.select %lt3A_486, %select_n3A_491, %select_n3A_472 : vector<256x128xi1>, vector<256x128xi32>
    %select_n3A_493 = arith.select %lt3A_484, %select_n3A_479, %slice3A_483 : vector<256x128xi1>, vector<256x128xf32>
    %select_n3A_494 = arith.select %lt3A_485, %select_n3A_493, %select_n3A_474 : vector<256x128xi1>, vector<256x128xf32>
    %jit3A_495 = arith.constant 23 : i32
    %broadcast_in_dim3A_496 = vector.broadcast %jit3A_495 : i32 to vector<256x128xi32>
    %select_n3A_497 = arith.select %lt3A_484, %select_n3A_482, %broadcast_in_dim3A_496 : vector<256x128xi1>, vector<256x128xi32>
    %select_n3A_498 = arith.select %lt3A_485, %select_n3A_497, %select_n3A_478 : vector<256x128xi1>, vector<256x128xi32>
    %select_n3A_499 = arith.select %lt3A_484, %slice3A_483, %select_n3A_479 : vector<256x128xi1>, vector<256x128xf32>
    %jit3A_500 = arith.constant 23 : i32
    %broadcast_in_dim3A_501 = vector.broadcast %jit3A_500 : i32 to vector<256x128xi32>
    %select_n3A_502 = arith.select %lt3A_484, %broadcast_in_dim3A_501, %select_n3A_482 : vector<256x128xi1>, vector<256x128xi32>
    %slice3A_503 = vector.extract_strided_slice %sub3A {offsets = [0, 3072], sizes = [256, 128], strides = [1, 1]} : vector<256x4096xf32> to vector<256x128xf32>
    %lt3A_504 = arith.cmpf olt, %slice3A_503, %select_n3A_499 : vector<256x128xf32>
    %lt3A_505 = arith.cmpf olt, %slice3A_503, %select_n3A_494 : vector<256x128xf32>
    %lt3A_506 = arith.cmpf olt, %slice3A_503, %select_n3A_488 : vector<256x128xf32>
    %select_n3A_507 = arith.select %lt3A_505, %select_n3A_494, %slice3A_503 : vector<256x128xi1>, vector<256x128xf32>
    %select_n3A_508 = arith.select %lt3A_506, %select_n3A_507, %select_n3A_488 : vector<256x128xi1>, vector<256x128xf32>
    %jit3A_509 = arith.constant 24 : i32
    %broadcast_in_dim3A_510 = vector.broadcast %jit3A_509 : i32 to vector<256x128xi32>
    %select_n3A_511 = arith.select %lt3A_505, %select_n3A_498, %broadcast_in_dim3A_510 : vector<256x128xi1>, vector<256x128xi32>
    %select_n3A_512 = arith.select %lt3A_506, %select_n3A_511, %select_n3A_492 : vector<256x128xi1>, vector<256x128xi32>
    %select_n3A_513 = arith.select %lt3A_504, %select_n3A_499, %slice3A_503 : vector<256x128xi1>, vector<256x128xf32>
    %select_n3A_514 = arith.select %lt3A_505, %select_n3A_513, %select_n3A_494 : vector<256x128xi1>, vector<256x128xf32>
    %jit3A_515 = arith.constant 24 : i32
    %broadcast_in_dim3A_516 = vector.broadcast %jit3A_515 : i32 to vector<256x128xi32>
    %select_n3A_517 = arith.select %lt3A_504, %select_n3A_502, %broadcast_in_dim3A_516 : vector<256x128xi1>, vector<256x128xi32>
    %select_n3A_518 = arith.select %lt3A_505, %select_n3A_517, %select_n3A_498 : vector<256x128xi1>, vector<256x128xi32>
    %select_n3A_519 = arith.select %lt3A_504, %slice3A_503, %select_n3A_499 : vector<256x128xi1>, vector<256x128xf32>
    %jit3A_520 = arith.constant 24 : i32
    %broadcast_in_dim3A_521 = vector.broadcast %jit3A_520 : i32 to vector<256x128xi32>
    %select_n3A_522 = arith.select %lt3A_504, %broadcast_in_dim3A_521, %select_n3A_502 : vector<256x128xi1>, vector<256x128xi32>
    %slice3A_523 = vector.extract_strided_slice %sub3A {offsets = [0, 3200], sizes = [256, 128], strides = [1, 1]} : vector<256x4096xf32> to vector<256x128xf32>
    %lt3A_524 = arith.cmpf olt, %slice3A_523, %select_n3A_519 : vector<256x128xf32>
    %lt3A_525 = arith.cmpf olt, %slice3A_523, %select_n3A_514 : vector<256x128xf32>
    %lt3A_526 = arith.cmpf olt, %slice3A_523, %select_n3A_508 : vector<256x128xf32>
    %select_n3A_527 = arith.select %lt3A_525, %select_n3A_514, %slice3A_523 : vector<256x128xi1>, vector<256x128xf32>
    %select_n3A_528 = arith.select %lt3A_526, %select_n3A_527, %select_n3A_508 : vector<256x128xi1>, vector<256x128xf32>
    %jit3A_529 = arith.constant 25 : i32
    %broadcast_in_dim3A_530 = vector.broadcast %jit3A_529 : i32 to vector<256x128xi32>
    %select_n3A_531 = arith.select %lt3A_525, %select_n3A_518, %broadcast_in_dim3A_530 : vector<256x128xi1>, vector<256x128xi32>
    %select_n3A_532 = arith.select %lt3A_526, %select_n3A_531, %select_n3A_512 : vector<256x128xi1>, vector<256x128xi32>
    %select_n3A_533 = arith.select %lt3A_524, %select_n3A_519, %slice3A_523 : vector<256x128xi1>, vector<256x128xf32>
    %select_n3A_534 = arith.select %lt3A_525, %select_n3A_533, %select_n3A_514 : vector<256x128xi1>, vector<256x128xf32>
    %jit3A_535 = arith.constant 25 : i32
    %broadcast_in_dim3A_536 = vector.broadcast %jit3A_535 : i32 to vector<256x128xi32>
    %select_n3A_537 = arith.select %lt3A_524, %select_n3A_522, %broadcast_in_dim3A_536 : vector<256x128xi1>, vector<256x128xi32>
    %select_n3A_538 = arith.select %lt3A_525, %select_n3A_537, %select_n3A_518 : vector<256x128xi1>, vector<256x128xi32>
    %select_n3A_539 = arith.select %lt3A_524, %slice3A_523, %select_n3A_519 : vector<256x128xi1>, vector<256x128xf32>
    %jit3A_540 = arith.constant 25 : i32
    %broadcast_in_dim3A_541 = vector.broadcast %jit3A_540 : i32 to vector<256x128xi32>
    %select_n3A_542 = arith.select %lt3A_524, %broadcast_in_dim3A_541, %select_n3A_522 : vector<256x128xi1>, vector<256x128xi32>
    %slice3A_543 = vector.extract_strided_slice %sub3A {offsets = [0, 3328], sizes = [256, 128], strides = [1, 1]} : vector<256x4096xf32> to vector<256x128xf32>
    %lt3A_544 = arith.cmpf olt, %slice3A_543, %select_n3A_539 : vector<256x128xf32>
    %lt3A_545 = arith.cmpf olt, %slice3A_543, %select_n3A_534 : vector<256x128xf32>
    %lt3A_546 = arith.cmpf olt, %slice3A_543, %select_n3A_528 : vector<256x128xf32>
    %select_n3A_547 = arith.select %lt3A_545, %select_n3A_534, %slice3A_543 : vector<256x128xi1>, vector<256x128xf32>
    %select_n3A_548 = arith.select %lt3A_546, %select_n3A_547, %select_n3A_528 : vector<256x128xi1>, vector<256x128xf32>
    %jit3A_549 = arith.constant 26 : i32
    %broadcast_in_dim3A_550 = vector.broadcast %jit3A_549 : i32 to vector<256x128xi32>
    %select_n3A_551 = arith.select %lt3A_545, %select_n3A_538, %broadcast_in_dim3A_550 : vector<256x128xi1>, vector<256x128xi32>
    %select_n3A_552 = arith.select %lt3A_546, %select_n3A_551, %select_n3A_532 : vector<256x128xi1>, vector<256x128xi32>
    %select_n3A_553 = arith.select %lt3A_544, %select_n3A_539, %slice3A_543 : vector<256x128xi1>, vector<256x128xf32>
    %select_n3A_554 = arith.select %lt3A_545, %select_n3A_553, %select_n3A_534 : vector<256x128xi1>, vector<256x128xf32>
    %jit3A_555 = arith.constant 26 : i32
    %broadcast_in_dim3A_556 = vector.broadcast %jit3A_555 : i32 to vector<256x128xi32>
    %select_n3A_557 = arith.select %lt3A_544, %select_n3A_542, %broadcast_in_dim3A_556 : vector<256x128xi1>, vector<256x128xi32>
    %select_n3A_558 = arith.select %lt3A_545, %select_n3A_557, %select_n3A_538 : vector<256x128xi1>, vector<256x128xi32>
    %select_n3A_559 = arith.select %lt3A_544, %slice3A_543, %select_n3A_539 : vector<256x128xi1>, vector<256x128xf32>
    %jit3A_560 = arith.constant 26 : i32
    %broadcast_in_dim3A_561 = vector.broadcast %jit3A_560 : i32 to vector<256x128xi32>
    %select_n3A_562 = arith.select %lt3A_544, %broadcast_in_dim3A_561, %select_n3A_542 : vector<256x128xi1>, vector<256x128xi32>
    %slice3A_563 = vector.extract_strided_slice %sub3A {offsets = [0, 3456], sizes = [256, 128], strides = [1, 1]} : vector<256x4096xf32> to vector<256x128xf32>
    %lt3A_564 = arith.cmpf olt, %slice3A_563, %select_n3A_559 : vector<256x128xf32>
    %lt3A_565 = arith.cmpf olt, %slice3A_563, %select_n3A_554 : vector<256x128xf32>
    %lt3A_566 = arith.cmpf olt, %slice3A_563, %select_n3A_548 : vector<256x128xf32>
    %select_n3A_567 = arith.select %lt3A_565, %select_n3A_554, %slice3A_563 : vector<256x128xi1>, vector<256x128xf32>
    %select_n3A_568 = arith.select %lt3A_566, %select_n3A_567, %select_n3A_548 : vector<256x128xi1>, vector<256x128xf32>
    %jit3A_569 = arith.constant 27 : i32
    %broadcast_in_dim3A_570 = vector.broadcast %jit3A_569 : i32 to vector<256x128xi32>
    %select_n3A_571 = arith.select %lt3A_565, %select_n3A_558, %broadcast_in_dim3A_570 : vector<256x128xi1>, vector<256x128xi32>
    %select_n3A_572 = arith.select %lt3A_566, %select_n3A_571, %select_n3A_552 : vector<256x128xi1>, vector<256x128xi32>
    %select_n3A_573 = arith.select %lt3A_564, %select_n3A_559, %slice3A_563 : vector<256x128xi1>, vector<256x128xf32>
    %select_n3A_574 = arith.select %lt3A_565, %select_n3A_573, %select_n3A_554 : vector<256x128xi1>, vector<256x128xf32>
    %jit3A_575 = arith.constant 27 : i32
    %broadcast_in_dim3A_576 = vector.broadcast %jit3A_575 : i32 to vector<256x128xi32>
    %select_n3A_577 = arith.select %lt3A_564, %select_n3A_562, %broadcast_in_dim3A_576 : vector<256x128xi1>, vector<256x128xi32>
    %select_n3A_578 = arith.select %lt3A_565, %select_n3A_577, %select_n3A_558 : vector<256x128xi1>, vector<256x128xi32>
    %select_n3A_579 = arith.select %lt3A_564, %slice3A_563, %select_n3A_559 : vector<256x128xi1>, vector<256x128xf32>
    %jit3A_580 = arith.constant 27 : i32
    %broadcast_in_dim3A_581 = vector.broadcast %jit3A_580 : i32 to vector<256x128xi32>
    %select_n3A_582 = arith.select %lt3A_564, %broadcast_in_dim3A_581, %select_n3A_562 : vector<256x128xi1>, vector<256x128xi32>
    %slice3A_583 = vector.extract_strided_slice %sub3A {offsets = [0, 3584], sizes = [256, 128], strides = [1, 1]} : vector<256x4096xf32> to vector<256x128xf32>
    %lt3A_584 = arith.cmpf olt, %slice3A_583, %select_n3A_579 : vector<256x128xf32>
    %lt3A_585 = arith.cmpf olt, %slice3A_583, %select_n3A_574 : vector<256x128xf32>
    %lt3A_586 = arith.cmpf olt, %slice3A_583, %select_n3A_568 : vector<256x128xf32>
    %select_n3A_587 = arith.select %lt3A_585, %select_n3A_574, %slice3A_583 : vector<256x128xi1>, vector<256x128xf32>
    %select_n3A_588 = arith.select %lt3A_586, %select_n3A_587, %select_n3A_568 : vector<256x128xi1>, vector<256x128xf32>
    %jit3A_589 = arith.constant 28 : i32
    %broadcast_in_dim3A_590 = vector.broadcast %jit3A_589 : i32 to vector<256x128xi32>
    %select_n3A_591 = arith.select %lt3A_585, %select_n3A_578, %broadcast_in_dim3A_590 : vector<256x128xi1>, vector<256x128xi32>
    %select_n3A_592 = arith.select %lt3A_586, %select_n3A_591, %select_n3A_572 : vector<256x128xi1>, vector<256x128xi32>
    %select_n3A_593 = arith.select %lt3A_584, %select_n3A_579, %slice3A_583 : vector<256x128xi1>, vector<256x128xf32>
    %select_n3A_594 = arith.select %lt3A_585, %select_n3A_593, %select_n3A_574 : vector<256x128xi1>, vector<256x128xf32>
    %jit3A_595 = arith.constant 28 : i32
    %broadcast_in_dim3A_596 = vector.broadcast %jit3A_595 : i32 to vector<256x128xi32>
    %select_n3A_597 = arith.select %lt3A_584, %select_n3A_582, %broadcast_in_dim3A_596 : vector<256x128xi1>, vector<256x128xi32>
    %select_n3A_598 = arith.select %lt3A_585, %select_n3A_597, %select_n3A_578 : vector<256x128xi1>, vector<256x128xi32>
    %select_n3A_599 = arith.select %lt3A_584, %slice3A_583, %select_n3A_579 : vector<256x128xi1>, vector<256x128xf32>
    %jit3A_600 = arith.constant 28 : i32
    %broadcast_in_dim3A_601 = vector.broadcast %jit3A_600 : i32 to vector<256x128xi32>
    %select_n3A_602 = arith.select %lt3A_584, %broadcast_in_dim3A_601, %select_n3A_582 : vector<256x128xi1>, vector<256x128xi32>
    %slice3A_603 = vector.extract_strided_slice %sub3A {offsets = [0, 3712], sizes = [256, 128], strides = [1, 1]} : vector<256x4096xf32> to vector<256x128xf32>
    %lt3A_604 = arith.cmpf olt, %slice3A_603, %select_n3A_599 : vector<256x128xf32>
    %lt3A_605 = arith.cmpf olt, %slice3A_603, %select_n3A_594 : vector<256x128xf32>
    %lt3A_606 = arith.cmpf olt, %slice3A_603, %select_n3A_588 : vector<256x128xf32>
    %select_n3A_607 = arith.select %lt3A_605, %select_n3A_594, %slice3A_603 : vector<256x128xi1>, vector<256x128xf32>
    %select_n3A_608 = arith.select %lt3A_606, %select_n3A_607, %select_n3A_588 : vector<256x128xi1>, vector<256x128xf32>
    %jit3A_609 = arith.constant 29 : i32
    %broadcast_in_dim3A_610 = vector.broadcast %jit3A_609 : i32 to vector<256x128xi32>
    %select_n3A_611 = arith.select %lt3A_605, %select_n3A_598, %broadcast_in_dim3A_610 : vector<256x128xi1>, vector<256x128xi32>
    %select_n3A_612 = arith.select %lt3A_606, %select_n3A_611, %select_n3A_592 : vector<256x128xi1>, vector<256x128xi32>
    %select_n3A_613 = arith.select %lt3A_604, %select_n3A_599, %slice3A_603 : vector<256x128xi1>, vector<256x128xf32>
    %select_n3A_614 = arith.select %lt3A_605, %select_n3A_613, %select_n3A_594 : vector<256x128xi1>, vector<256x128xf32>
    %jit3A_615 = arith.constant 29 : i32
    %broadcast_in_dim3A_616 = vector.broadcast %jit3A_615 : i32 to vector<256x128xi32>
    %select_n3A_617 = arith.select %lt3A_604, %select_n3A_602, %broadcast_in_dim3A_616 : vector<256x128xi1>, vector<256x128xi32>
    %select_n3A_618 = arith.select %lt3A_605, %select_n3A_617, %select_n3A_598 : vector<256x128xi1>, vector<256x128xi32>
    %select_n3A_619 = arith.select %lt3A_604, %slice3A_603, %select_n3A_599 : vector<256x128xi1>, vector<256x128xf32>
    %jit3A_620 = arith.constant 29 : i32
    %broadcast_in_dim3A_621 = vector.broadcast %jit3A_620 : i32 to vector<256x128xi32>
    %select_n3A_622 = arith.select %lt3A_604, %broadcast_in_dim3A_621, %select_n3A_602 : vector<256x128xi1>, vector<256x128xi32>
    %slice3A_623 = vector.extract_strided_slice %sub3A {offsets = [0, 3840], sizes = [256, 128], strides = [1, 1]} : vector<256x4096xf32> to vector<256x128xf32>
    %lt3A_624 = arith.cmpf olt, %slice3A_623, %select_n3A_619 : vector<256x128xf32>
    %lt3A_625 = arith.cmpf olt, %slice3A_623, %select_n3A_614 : vector<256x128xf32>
    %lt3A_626 = arith.cmpf olt, %slice3A_623, %select_n3A_608 : vector<256x128xf32>
    %select_n3A_627 = arith.select %lt3A_625, %select_n3A_614, %slice3A_623 : vector<256x128xi1>, vector<256x128xf32>
    %select_n3A_628 = arith.select %lt3A_626, %select_n3A_627, %select_n3A_608 : vector<256x128xi1>, vector<256x128xf32>
    %jit3A_629 = arith.constant 30 : i32
    %broadcast_in_dim3A_630 = vector.broadcast %jit3A_629 : i32 to vector<256x128xi32>
    %select_n3A_631 = arith.select %lt3A_625, %select_n3A_618, %broadcast_in_dim3A_630 : vector<256x128xi1>, vector<256x128xi32>
    %select_n3A_632 = arith.select %lt3A_626, %select_n3A_631, %select_n3A_612 : vector<256x128xi1>, vector<256x128xi32>
    %select_n3A_633 = arith.select %lt3A_624, %select_n3A_619, %slice3A_623 : vector<256x128xi1>, vector<256x128xf32>
    %select_n3A_634 = arith.select %lt3A_625, %select_n3A_633, %select_n3A_614 : vector<256x128xi1>, vector<256x128xf32>
    %jit3A_635 = arith.constant 30 : i32
    %broadcast_in_dim3A_636 = vector.broadcast %jit3A_635 : i32 to vector<256x128xi32>
    %select_n3A_637 = arith.select %lt3A_624, %select_n3A_622, %broadcast_in_dim3A_636 : vector<256x128xi1>, vector<256x128xi32>
    %select_n3A_638 = arith.select %lt3A_625, %select_n3A_637, %select_n3A_618 : vector<256x128xi1>, vector<256x128xi32>
    %select_n3A_639 = arith.select %lt3A_624, %slice3A_623, %select_n3A_619 : vector<256x128xi1>, vector<256x128xf32>
    %jit3A_640 = arith.constant 30 : i32
    %broadcast_in_dim3A_641 = vector.broadcast %jit3A_640 : i32 to vector<256x128xi32>
    %select_n3A_642 = arith.select %lt3A_624, %broadcast_in_dim3A_641, %select_n3A_622 : vector<256x128xi1>, vector<256x128xi32>
    %slice3A_643 = vector.extract_strided_slice %sub3A {offsets = [0, 3968], sizes = [256, 128], strides = [1, 1]} : vector<256x4096xf32> to vector<256x128xf32>
    %lt3A_644 = arith.cmpf olt, %slice3A_643, %select_n3A_639 : vector<256x128xf32>
    %lt3A_645 = arith.cmpf olt, %slice3A_643, %select_n3A_634 : vector<256x128xf32>
    %lt3A_646 = arith.cmpf olt, %slice3A_643, %select_n3A_628 : vector<256x128xf32>
    %select_n3A_647 = arith.select %lt3A_645, %select_n3A_634, %slice3A_643 : vector<256x128xi1>, vector<256x128xf32>
    %select_n3A_648 = arith.select %lt3A_646, %select_n3A_647, %select_n3A_628 : vector<256x128xi1>, vector<256x128xf32>
    %jit3A_649 = arith.constant 31 : i32
    %broadcast_in_dim3A_650 = vector.broadcast %jit3A_649 : i32 to vector<256x128xi32>
    %select_n3A_651 = arith.select %lt3A_645, %select_n3A_638, %broadcast_in_dim3A_650 : vector<256x128xi1>, vector<256x128xi32>
    %select_n3A_652 = arith.select %lt3A_646, %select_n3A_651, %select_n3A_632 : vector<256x128xi1>, vector<256x128xi32>
    %select_n3A_653 = arith.select %lt3A_644, %select_n3A_639, %slice3A_643 : vector<256x128xi1>, vector<256x128xf32>
    %select_n3A_654 = arith.select %lt3A_645, %select_n3A_653, %select_n3A_634 : vector<256x128xi1>, vector<256x128xf32>
    %jit3A_655 = arith.constant 31 : i32
    %broadcast_in_dim3A_656 = vector.broadcast %jit3A_655 : i32 to vector<256x128xi32>
    %select_n3A_657 = arith.select %lt3A_644, %select_n3A_642, %broadcast_in_dim3A_656 : vector<256x128xi1>, vector<256x128xi32>
    %select_n3A_658 = arith.select %lt3A_645, %select_n3A_657, %select_n3A_638 : vector<256x128xi1>, vector<256x128xi32>
    %select_n3A_659 = arith.select %lt3A_644, %slice3A_643, %select_n3A_639 : vector<256x128xi1>, vector<256x128xf32>
    %jit3A_660 = arith.constant 31 : i32
    %broadcast_in_dim3A_661 = vector.broadcast %jit3A_660 : i32 to vector<256x128xi32>
    %select_n3A_662 = arith.select %lt3A_644, %broadcast_in_dim3A_661, %select_n3A_642 : vector<256x128xi1>, vector<256x128xi32>
    %iota3A = tpu.iota {dimensions = array<i32: 1>} : vector<256x128xi32>
    %mul3A_663 = arith.constant 128 : i32
    %mul3A_664 = vector.broadcast %mul3A_663 : i32 to vector<256x128xi32>
    %mul3A_665 = arith.muli %select_n3A_662, %mul3A_664 : vector<256x128xi32>
    %add3A_666 = arith.addi %mul3A_665, %iota3A : vector<256x128xi32>
    %convert_element_type3A_667 = arith.sitofp %add3A_666 : vector<256x128xi32> to vector<256x128xf32>
    %mul3A_668 = arith.constant 128 : i32
    %mul3A_669 = vector.broadcast %mul3A_668 : i32 to vector<256x128xi32>
    %mul3A_670 = arith.muli %select_n3A_658, %mul3A_669 : vector<256x128xi32>
    %add3A_671 = arith.addi %mul3A_670, %iota3A : vector<256x128xi32>
    %convert_element_type3A_672 = arith.sitofp %add3A_671 : vector<256x128xi32> to vector<256x128xf32>
    %mul3A_673 = arith.constant 128 : i32
    %mul3A_674 = vector.broadcast %mul3A_673 : i32 to vector<256x128xi32>
    %mul3A_675 = arith.muli %select_n3A_652, %mul3A_674 : vector<256x128xi32>
    %add3A_676 = arith.addi %mul3A_675, %iota3A : vector<256x128xi32>
    %convert_element_type3A_677 = arith.sitofp %add3A_676 : vector<256x128xi32> to vector<256x128xf32>
    %iota3A_678 = tpu.iota {dimensions = array<i32: 0>} : vector<256x128xi32>
    %mul3A_679 = arith.constant 256 : i32
    %mul3A_680 = arith.muli %arg1, %mul3A_679 : i32
    %add3A_681 = vector.broadcast %mul3A_680 : i32 to vector<256x128xi32>
    %add3A_682 = arith.addi %iota3A_678, %add3A_681 : vector<256x128xi32>
    %convert_element_type3A_683 = arith.sitofp %add3A_682 : vector<256x128xi32> to vector<256x128xf32>
    %eq3A_684 = arith.cmpf oeq, %convert_element_type3A_667, %convert_element_type3A_683 : vector<256x128xf32>
    %select_n3A_685 = arith.select %eq3A_684, %select_n3A_654, %select_n3A_659 : vector<256x128xi1>, vector<256x128xf32>
    %select_n3A_686 = arith.select %eq3A_684, %convert_element_type3A_672, %convert_element_type3A_667 : vector<256x128xi1>, vector<256x128xf32>
    %select_n3A_687 = arith.select %eq3A_684, %select_n3A_648, %select_n3A_654 : vector<256x128xi1>, vector<256x128xf32>
    %select_n3A_688 = arith.select %eq3A_684, %convert_element_type3A_677, %convert_element_type3A_672 : vector<256x128xi1>, vector<256x128xf32>
    %jit3A_689 = arith.constant 0x7F800000 : f32
    %broadcast_in_dim3A_690 = vector.broadcast %jit3A_689 : f32 to vector<256x128xf32>
    %select_n3A_691 = arith.select %eq3A_684, %broadcast_in_dim3A_690, %select_n3A_648 : vector<256x128xi1>, vector<256x128xf32>
    %reduce_min3A = arith.constant dense<0x7F800000> : vector<256xf32>
    %reduce_min3A_692 = vector.multi_reduction <minimumf>, %select_n3A_685, %reduce_min3A [1] : vector<256x128xf32> to vector<256xf32>
    %broadcast_in_dim3A_693 = vector.shape_cast %reduce_min3A_692 : vector<256xf32> to vector<256x1xf32>
    %eq3A_694 = vector.broadcast %broadcast_in_dim3A_693 : vector<256x1xf32> to vector<256x128xf32>
    %eq3A_695 = arith.cmpf oeq, %select_n3A_685, %eq3A_694 : vector<256x128xf32>
    %jit3A_696 = arith.constant 4.096000e+03 : f32
    %broadcast_in_dim3A_697 = vector.broadcast %jit3A_696 : f32 to vector<256x128xf32>
    %select_n3A_698 = arith.select %eq3A_695, %select_n3A_686, %broadcast_in_dim3A_697 : vector<256x128xi1>, vector<256x128xf32>
    %reduce_min3A_699 = arith.constant dense<0x7F800000> : vector<256xf32>
    %reduce_min3A_700 = vector.multi_reduction <minimumf>, %select_n3A_698, %reduce_min3A_699 [1] : vector<256x128xf32> to vector<256xf32>
    %broadcast_in_dim3A_701 = vector.shape_cast %reduce_min3A_700 : vector<256xf32> to vector<256x1xf32>
    %eq3A_702 = vector.broadcast %broadcast_in_dim3A_701 : vector<256x1xf32> to vector<256x128xf32>
    %eq3A_703 = arith.cmpf oeq, %select_n3A_686, %eq3A_702 : vector<256x128xf32>
    %select_n3A_704 = arith.select %eq3A_703, %select_n3A_687, %select_n3A_685 : vector<256x128xi1>, vector<256x128xf32>
    %select_n3A_705 = arith.select %eq3A_703, %select_n3A_688, %select_n3A_686 : vector<256x128xi1>, vector<256x128xf32>
    %select_n3A_706 = arith.select %eq3A_703, %select_n3A_691, %select_n3A_687 : vector<256x128xi1>, vector<256x128xf32>
    %select_n3A_707 = arith.select %eq3A_703, %convert_element_type3A_677, %select_n3A_688 : vector<256x128xi1>, vector<256x128xf32>
    %jit3A_708 = arith.constant 0x7F800000 : f32
    %broadcast_in_dim3A_709 = vector.broadcast %jit3A_708 : f32 to vector<256x128xf32>
    %select_n3A_710 = arith.select %eq3A_703, %broadcast_in_dim3A_709, %select_n3A_691 : vector<256x128xi1>, vector<256x128xf32>
    %reduce_min3A_711 = arith.constant dense<0x7F800000> : vector<256xf32>
    %reduce_min3A_712 = vector.multi_reduction <minimumf>, %select_n3A_704, %reduce_min3A_711 [1] : vector<256x128xf32> to vector<256xf32>
    %broadcast_in_dim3A_713 = vector.shape_cast %reduce_min3A_712 : vector<256xf32> to vector<256x1xf32>
    %eq3A_714 = vector.broadcast %broadcast_in_dim3A_713 : vector<256x1xf32> to vector<256x128xf32>
    %eq3A_715 = arith.cmpf oeq, %select_n3A_704, %eq3A_714 : vector<256x128xf32>
    %jit3A_716 = arith.constant 4.096000e+03 : f32
    %broadcast_in_dim3A_717 = vector.broadcast %jit3A_716 : f32 to vector<256x128xf32>
    %select_n3A_718 = arith.select %eq3A_715, %select_n3A_705, %broadcast_in_dim3A_717 : vector<256x128xi1>, vector<256x128xf32>
    %reduce_min3A_719 = arith.constant dense<0x7F800000> : vector<256xf32>
    %reduce_min3A_720 = vector.multi_reduction <minimumf>, %select_n3A_718, %reduce_min3A_719 [1] : vector<256x128xf32> to vector<256xf32>
    %broadcast_in_dim3A_721 = vector.shape_cast %reduce_min3A_720 : vector<256xf32> to vector<256x1xf32>
    %eq3A_722 = vector.broadcast %broadcast_in_dim3A_721 : vector<256x1xf32> to vector<256x128xf32>
    %eq3A_723 = arith.cmpf oeq, %select_n3A_705, %eq3A_722 : vector<256x128xf32>
    %select_n3A_724 = arith.select %eq3A_723, %select_n3A_706, %select_n3A_704 : vector<256x128xi1>, vector<256x128xf32>
    %select_n3A_725 = arith.select %eq3A_723, %select_n3A_707, %select_n3A_705 : vector<256x128xi1>, vector<256x128xf32>
    %select_n3A_726 = arith.select %eq3A_723, %select_n3A_710, %select_n3A_706 : vector<256x128xi1>, vector<256x128xf32>
    %select_n3A_727 = arith.select %eq3A_723, %convert_element_type3A_677, %select_n3A_707 : vector<256x128xi1>, vector<256x128xf32>
    %jit3A_728 = arith.constant 0x7F800000 : f32
    %broadcast_in_dim3A_729 = vector.broadcast %jit3A_728 : f32 to vector<256x128xf32>
    %select_n3A_730 = arith.select %eq3A_723, %broadcast_in_dim3A_729, %select_n3A_710 : vector<256x128xi1>, vector<256x128xf32>
    %reduce_min3A_731 = arith.constant dense<0x7F800000> : vector<256xf32>
    %reduce_min3A_732 = vector.multi_reduction <minimumf>, %select_n3A_724, %reduce_min3A_731 [1] : vector<256x128xf32> to vector<256xf32>
    %broadcast_in_dim3A_733 = vector.shape_cast %reduce_min3A_732 : vector<256xf32> to vector<256x1xf32>
    %eq3A_734 = vector.broadcast %broadcast_in_dim3A_733 : vector<256x1xf32> to vector<256x128xf32>
    %eq3A_735 = arith.cmpf oeq, %select_n3A_724, %eq3A_734 : vector<256x128xf32>
    %jit3A_736 = arith.constant 4.096000e+03 : f32
    %broadcast_in_dim3A_737 = vector.broadcast %jit3A_736 : f32 to vector<256x128xf32>
    %select_n3A_738 = arith.select %eq3A_735, %select_n3A_725, %broadcast_in_dim3A_737 : vector<256x128xi1>, vector<256x128xf32>
    %reduce_min3A_739 = arith.constant dense<0x7F800000> : vector<256xf32>
    %reduce_min3A_740 = vector.multi_reduction <minimumf>, %select_n3A_738, %reduce_min3A_739 [1] : vector<256x128xf32> to vector<256xf32>
    %broadcast_in_dim3A_741 = vector.shape_cast %reduce_min3A_740 : vector<256xf32> to vector<256x1xf32>
    %eq3A_742 = vector.broadcast %broadcast_in_dim3A_741 : vector<256x1xf32> to vector<256x128xf32>
    %eq3A_743 = arith.cmpf oeq, %select_n3A_725, %eq3A_742 : vector<256x128xf32>
    %select_n3A_744 = arith.select %eq3A_743, %select_n3A_726, %select_n3A_724 : vector<256x128xi1>, vector<256x128xf32>
    %select_n3A_745 = arith.select %eq3A_743, %select_n3A_727, %select_n3A_725 : vector<256x128xi1>, vector<256x128xf32>
    %select_n3A_746 = arith.select %eq3A_743, %select_n3A_730, %select_n3A_726 : vector<256x128xi1>, vector<256x128xf32>
    %select_n3A_747 = arith.select %eq3A_743, %convert_element_type3A_677, %select_n3A_727 : vector<256x128xi1>, vector<256x128xf32>
    %jit3A_748 = arith.constant 0x7F800000 : f32
    %broadcast_in_dim3A_749 = vector.broadcast %jit3A_748 : f32 to vector<256x128xf32>
    %select_n3A_750 = arith.select %eq3A_743, %broadcast_in_dim3A_749, %select_n3A_730 : vector<256x128xi1>, vector<256x128xf32>
    %reduce_min3A_751 = arith.constant dense<0x7F800000> : vector<256xf32>
    %reduce_min3A_752 = vector.multi_reduction <minimumf>, %select_n3A_744, %reduce_min3A_751 [1] : vector<256x128xf32> to vector<256xf32>
    %broadcast_in_dim3A_753 = vector.shape_cast %reduce_min3A_752 : vector<256xf32> to vector<256x1xf32>
    %eq3A_754 = vector.broadcast %broadcast_in_dim3A_753 : vector<256x1xf32> to vector<256x128xf32>
    %eq3A_755 = arith.cmpf oeq, %select_n3A_744, %eq3A_754 : vector<256x128xf32>
    %jit3A_756 = arith.constant 4.096000e+03 : f32
    %broadcast_in_dim3A_757 = vector.broadcast %jit3A_756 : f32 to vector<256x128xf32>
    %select_n3A_758 = arith.select %eq3A_755, %select_n3A_745, %broadcast_in_dim3A_757 : vector<256x128xi1>, vector<256x128xf32>
    %reduce_min3A_759 = arith.constant dense<0x7F800000> : vector<256xf32>
    %reduce_min3A_760 = vector.multi_reduction <minimumf>, %select_n3A_758, %reduce_min3A_759 [1] : vector<256x128xf32> to vector<256xf32>
    %broadcast_in_dim3A_761 = vector.shape_cast %reduce_min3A_760 : vector<256xf32> to vector<256x1xf32>
    %eq3A_762 = vector.broadcast %broadcast_in_dim3A_761 : vector<256x1xf32> to vector<256x128xf32>
    %eq3A_763 = arith.cmpf oeq, %select_n3A_745, %eq3A_762 : vector<256x128xf32>
    %select_n3A_764 = arith.select %eq3A_763, %select_n3A_746, %select_n3A_744 : vector<256x128xi1>, vector<256x128xf32>
    %select_n3A_765 = arith.select %eq3A_763, %select_n3A_747, %select_n3A_745 : vector<256x128xi1>, vector<256x128xf32>
    %select_n3A_766 = arith.select %eq3A_763, %select_n3A_750, %select_n3A_746 : vector<256x128xi1>, vector<256x128xf32>
    %select_n3A_767 = arith.select %eq3A_763, %convert_element_type3A_677, %select_n3A_747 : vector<256x128xi1>, vector<256x128xf32>
    %jit3A_768 = arith.constant 0x7F800000 : f32
    %broadcast_in_dim3A_769 = vector.broadcast %jit3A_768 : f32 to vector<256x128xf32>
    %select_n3A_770 = arith.select %eq3A_763, %broadcast_in_dim3A_769, %select_n3A_750 : vector<256x128xi1>, vector<256x128xf32>
    %reduce_min3A_771 = arith.constant dense<0x7F800000> : vector<256xf32>
    %reduce_min3A_772 = vector.multi_reduction <minimumf>, %select_n3A_764, %reduce_min3A_771 [1] : vector<256x128xf32> to vector<256xf32>
    %broadcast_in_dim3A_773 = vector.shape_cast %reduce_min3A_772 : vector<256xf32> to vector<256x1xf32>
    %eq3A_774 = vector.broadcast %broadcast_in_dim3A_773 : vector<256x1xf32> to vector<256x128xf32>
    %eq3A_775 = arith.cmpf oeq, %select_n3A_764, %eq3A_774 : vector<256x128xf32>
    %jit3A_776 = arith.constant 4.096000e+03 : f32
    %broadcast_in_dim3A_777 = vector.broadcast %jit3A_776 : f32 to vector<256x128xf32>
    %select_n3A_778 = arith.select %eq3A_775, %select_n3A_765, %broadcast_in_dim3A_777 : vector<256x128xi1>, vector<256x128xf32>
    %reduce_min3A_779 = arith.constant dense<0x7F800000> : vector<256xf32>
    %reduce_min3A_780 = vector.multi_reduction <minimumf>, %select_n3A_778, %reduce_min3A_779 [1] : vector<256x128xf32> to vector<256xf32>
    %broadcast_in_dim3A_781 = vector.shape_cast %reduce_min3A_780 : vector<256xf32> to vector<256x1xf32>
    %eq3A_782 = vector.broadcast %broadcast_in_dim3A_781 : vector<256x1xf32> to vector<256x128xf32>
    %eq3A_783 = arith.cmpf oeq, %select_n3A_765, %eq3A_782 : vector<256x128xf32>
    %select_n3A_784 = arith.select %eq3A_783, %select_n3A_766, %select_n3A_764 : vector<256x128xi1>, vector<256x128xf32>
    %select_n3A_785 = arith.select %eq3A_783, %select_n3A_767, %select_n3A_765 : vector<256x128xi1>, vector<256x128xf32>
    %select_n3A_786 = arith.select %eq3A_783, %select_n3A_770, %select_n3A_766 : vector<256x128xi1>, vector<256x128xf32>
    %select_n3A_787 = arith.select %eq3A_783, %convert_element_type3A_677, %select_n3A_767 : vector<256x128xi1>, vector<256x128xf32>
    %jit3A_788 = arith.constant 0x7F800000 : f32
    %broadcast_in_dim3A_789 = vector.broadcast %jit3A_788 : f32 to vector<256x128xf32>
    %select_n3A_790 = arith.select %eq3A_783, %broadcast_in_dim3A_789, %select_n3A_770 : vector<256x128xi1>, vector<256x128xf32>
    %reduce_min3A_791 = arith.constant dense<0x7F800000> : vector<256xf32>
    %reduce_min3A_792 = vector.multi_reduction <minimumf>, %select_n3A_784, %reduce_min3A_791 [1] : vector<256x128xf32> to vector<256xf32>
    %broadcast_in_dim3A_793 = vector.shape_cast %reduce_min3A_792 : vector<256xf32> to vector<256x1xf32>
    %eq3A_794 = vector.broadcast %broadcast_in_dim3A_793 : vector<256x1xf32> to vector<256x128xf32>
    %eq3A_795 = arith.cmpf oeq, %select_n3A_784, %eq3A_794 : vector<256x128xf32>
    %jit3A_796 = arith.constant 4.096000e+03 : f32
    %broadcast_in_dim3A_797 = vector.broadcast %jit3A_796 : f32 to vector<256x128xf32>
    %select_n3A_798 = arith.select %eq3A_795, %select_n3A_785, %broadcast_in_dim3A_797 : vector<256x128xi1>, vector<256x128xf32>
    %reduce_min3A_799 = arith.constant dense<0x7F800000> : vector<256xf32>
    %reduce_min3A_800 = vector.multi_reduction <minimumf>, %select_n3A_798, %reduce_min3A_799 [1] : vector<256x128xf32> to vector<256xf32>
    %broadcast_in_dim3A_801 = vector.shape_cast %reduce_min3A_800 : vector<256xf32> to vector<256x1xf32>
    %eq3A_802 = vector.broadcast %broadcast_in_dim3A_801 : vector<256x1xf32> to vector<256x128xf32>
    %eq3A_803 = arith.cmpf oeq, %select_n3A_785, %eq3A_802 : vector<256x128xf32>
    %select_n3A_804 = arith.select %eq3A_803, %select_n3A_786, %select_n3A_784 : vector<256x128xi1>, vector<256x128xf32>
    %select_n3A_805 = arith.select %eq3A_803, %select_n3A_787, %select_n3A_785 : vector<256x128xi1>, vector<256x128xf32>
    %select_n3A_806 = arith.select %eq3A_803, %select_n3A_790, %select_n3A_786 : vector<256x128xi1>, vector<256x128xf32>
    %select_n3A_807 = arith.select %eq3A_803, %convert_element_type3A_677, %select_n3A_787 : vector<256x128xi1>, vector<256x128xf32>
    %jit3A_808 = arith.constant 0x7F800000 : f32
    %broadcast_in_dim3A_809 = vector.broadcast %jit3A_808 : f32 to vector<256x128xf32>
    %select_n3A_810 = arith.select %eq3A_803, %broadcast_in_dim3A_809, %select_n3A_790 : vector<256x128xi1>, vector<256x128xf32>
    %reduce_min3A_811 = arith.constant dense<0x7F800000> : vector<256xf32>
    %reduce_min3A_812 = vector.multi_reduction <minimumf>, %select_n3A_804, %reduce_min3A_811 [1] : vector<256x128xf32> to vector<256xf32>
    %broadcast_in_dim3A_813 = vector.shape_cast %reduce_min3A_812 : vector<256xf32> to vector<256x1xf32>
    %eq3A_814 = vector.broadcast %broadcast_in_dim3A_813 : vector<256x1xf32> to vector<256x128xf32>
    %eq3A_815 = arith.cmpf oeq, %select_n3A_804, %eq3A_814 : vector<256x128xf32>
    %jit3A_816 = arith.constant 4.096000e+03 : f32
    %broadcast_in_dim3A_817 = vector.broadcast %jit3A_816 : f32 to vector<256x128xf32>
    %select_n3A_818 = arith.select %eq3A_815, %select_n3A_805, %broadcast_in_dim3A_817 : vector<256x128xi1>, vector<256x128xf32>
    %reduce_min3A_819 = arith.constant dense<0x7F800000> : vector<256xf32>
    %reduce_min3A_820 = vector.multi_reduction <minimumf>, %select_n3A_818, %reduce_min3A_819 [1] : vector<256x128xf32> to vector<256xf32>
    %broadcast_in_dim3A_821 = vector.shape_cast %reduce_min3A_820 : vector<256xf32> to vector<256x1xf32>
    %eq3A_822 = vector.broadcast %broadcast_in_dim3A_821 : vector<256x1xf32> to vector<256x128xf32>
    %eq3A_823 = arith.cmpf oeq, %select_n3A_805, %eq3A_822 : vector<256x128xf32>
    %select_n3A_824 = arith.select %eq3A_823, %select_n3A_806, %select_n3A_804 : vector<256x128xi1>, vector<256x128xf32>
    %select_n3A_825 = arith.select %eq3A_823, %select_n3A_807, %select_n3A_805 : vector<256x128xi1>, vector<256x128xf32>
    %select_n3A_826 = arith.select %eq3A_823, %select_n3A_810, %select_n3A_806 : vector<256x128xi1>, vector<256x128xf32>
    %select_n3A_827 = arith.select %eq3A_823, %convert_element_type3A_677, %select_n3A_807 : vector<256x128xi1>, vector<256x128xf32>
    %jit3A_828 = arith.constant 0x7F800000 : f32
    %broadcast_in_dim3A_829 = vector.broadcast %jit3A_828 : f32 to vector<256x128xf32>
    %select_n3A_830 = arith.select %eq3A_823, %broadcast_in_dim3A_829, %select_n3A_810 : vector<256x128xi1>, vector<256x128xf32>
    %reduce_min3A_831 = arith.constant dense<0x7F800000> : vector<256xf32>
    %reduce_min3A_832 = vector.multi_reduction <minimumf>, %select_n3A_824, %reduce_min3A_831 [1] : vector<256x128xf32> to vector<256xf32>
    %broadcast_in_dim3A_833 = vector.shape_cast %reduce_min3A_832 : vector<256xf32> to vector<256x1xf32>
    %eq3A_834 = vector.broadcast %broadcast_in_dim3A_833 : vector<256x1xf32> to vector<256x128xf32>
    %eq3A_835 = arith.cmpf oeq, %select_n3A_824, %eq3A_834 : vector<256x128xf32>
    %jit3A_836 = arith.constant 4.096000e+03 : f32
    %broadcast_in_dim3A_837 = vector.broadcast %jit3A_836 : f32 to vector<256x128xf32>
    %select_n3A_838 = arith.select %eq3A_835, %select_n3A_825, %broadcast_in_dim3A_837 : vector<256x128xi1>, vector<256x128xf32>
    %reduce_min3A_839 = arith.constant dense<0x7F800000> : vector<256xf32>
    %reduce_min3A_840 = vector.multi_reduction <minimumf>, %select_n3A_838, %reduce_min3A_839 [1] : vector<256x128xf32> to vector<256xf32>
    %broadcast_in_dim3A_841 = vector.shape_cast %reduce_min3A_840 : vector<256xf32> to vector<256x1xf32>
    %eq3A_842 = vector.broadcast %broadcast_in_dim3A_841 : vector<256x1xf32> to vector<256x128xf32>
    %eq3A_843 = arith.cmpf oeq, %select_n3A_825, %eq3A_842 : vector<256x128xf32>
    %select_n3A_844 = arith.select %eq3A_843, %select_n3A_826, %select_n3A_824 : vector<256x128xi1>, vector<256x128xf32>
    %select_n3A_845 = arith.select %eq3A_843, %select_n3A_827, %select_n3A_825 : vector<256x128xi1>, vector<256x128xf32>
    %select_n3A_846 = arith.select %eq3A_843, %select_n3A_830, %select_n3A_826 : vector<256x128xi1>, vector<256x128xf32>
    %select_n3A_847 = arith.select %eq3A_843, %convert_element_type3A_677, %select_n3A_827 : vector<256x128xi1>, vector<256x128xf32>
    %jit3A_848 = arith.constant 0x7F800000 : f32
    %broadcast_in_dim3A_849 = vector.broadcast %jit3A_848 : f32 to vector<256x128xf32>
    %select_n3A_850 = arith.select %eq3A_843, %broadcast_in_dim3A_849, %select_n3A_830 : vector<256x128xi1>, vector<256x128xf32>
    %reduce_min3A_851 = arith.constant dense<0x7F800000> : vector<256xf32>
    %reduce_min3A_852 = vector.multi_reduction <minimumf>, %select_n3A_844, %reduce_min3A_851 [1] : vector<256x128xf32> to vector<256xf32>
    %broadcast_in_dim3A_853 = vector.shape_cast %reduce_min3A_852 : vector<256xf32> to vector<256x1xf32>
    %eq3A_854 = vector.broadcast %broadcast_in_dim3A_853 : vector<256x1xf32> to vector<256x128xf32>
    %eq3A_855 = arith.cmpf oeq, %select_n3A_844, %eq3A_854 : vector<256x128xf32>
    %jit3A_856 = arith.constant 4.096000e+03 : f32
    %broadcast_in_dim3A_857 = vector.broadcast %jit3A_856 : f32 to vector<256x128xf32>
    %select_n3A_858 = arith.select %eq3A_855, %select_n3A_845, %broadcast_in_dim3A_857 : vector<256x128xi1>, vector<256x128xf32>
    %reduce_min3A_859 = arith.constant dense<0x7F800000> : vector<256xf32>
    %reduce_min3A_860 = vector.multi_reduction <minimumf>, %select_n3A_858, %reduce_min3A_859 [1] : vector<256x128xf32> to vector<256xf32>
    %broadcast_in_dim3A_861 = vector.shape_cast %reduce_min3A_860 : vector<256xf32> to vector<256x1xf32>
    %eq3A_862 = vector.broadcast %broadcast_in_dim3A_861 : vector<256x1xf32> to vector<256x128xf32>
    %eq3A_863 = arith.cmpf oeq, %select_n3A_845, %eq3A_862 : vector<256x128xf32>
    %select_n3A_864 = arith.select %eq3A_863, %select_n3A_846, %select_n3A_844 : vector<256x128xi1>, vector<256x128xf32>
    %select_n3A_865 = arith.select %eq3A_863, %select_n3A_847, %select_n3A_845 : vector<256x128xi1>, vector<256x128xf32>
    %select_n3A_866 = arith.select %eq3A_863, %select_n3A_850, %select_n3A_846 : vector<256x128xi1>, vector<256x128xf32>
    %select_n3A_867 = arith.select %eq3A_863, %convert_element_type3A_677, %select_n3A_847 : vector<256x128xi1>, vector<256x128xf32>
    %jit3A_868 = arith.constant 0x7F800000 : f32
    %broadcast_in_dim3A_869 = vector.broadcast %jit3A_868 : f32 to vector<256x128xf32>
    %select_n3A_870 = arith.select %eq3A_863, %broadcast_in_dim3A_869, %select_n3A_850 : vector<256x128xi1>, vector<256x128xf32>
    %reduce_min3A_871 = arith.constant dense<0x7F800000> : vector<256xf32>
    %reduce_min3A_872 = vector.multi_reduction <minimumf>, %select_n3A_864, %reduce_min3A_871 [1] : vector<256x128xf32> to vector<256xf32>
    %broadcast_in_dim3A_873 = vector.shape_cast %reduce_min3A_872 : vector<256xf32> to vector<256x1xf32>
    %eq3A_874 = vector.broadcast %broadcast_in_dim3A_873 : vector<256x1xf32> to vector<256x128xf32>
    %eq3A_875 = arith.cmpf oeq, %select_n3A_864, %eq3A_874 : vector<256x128xf32>
    %jit3A_876 = arith.constant 4.096000e+03 : f32
    %broadcast_in_dim3A_877 = vector.broadcast %jit3A_876 : f32 to vector<256x128xf32>
    %select_n3A_878 = arith.select %eq3A_875, %select_n3A_865, %broadcast_in_dim3A_877 : vector<256x128xi1>, vector<256x128xf32>
    %reduce_min3A_879 = arith.constant dense<0x7F800000> : vector<256xf32>
    %reduce_min3A_880 = vector.multi_reduction <minimumf>, %select_n3A_878, %reduce_min3A_879 [1] : vector<256x128xf32> to vector<256xf32>
    %broadcast_in_dim3A_881 = vector.shape_cast %reduce_min3A_880 : vector<256xf32> to vector<256x1xf32>
    %eq3A_882 = vector.broadcast %broadcast_in_dim3A_881 : vector<256x1xf32> to vector<256x128xf32>
    %eq3A_883 = arith.cmpf oeq, %select_n3A_865, %eq3A_882 : vector<256x128xf32>
    %select_n3A_884 = arith.select %eq3A_883, %select_n3A_866, %select_n3A_864 : vector<256x128xi1>, vector<256x128xf32>
    %select_n3A_885 = arith.select %eq3A_883, %select_n3A_867, %select_n3A_865 : vector<256x128xi1>, vector<256x128xf32>
    %select_n3A_886 = arith.select %eq3A_883, %select_n3A_870, %select_n3A_866 : vector<256x128xi1>, vector<256x128xf32>
    %select_n3A_887 = arith.select %eq3A_883, %convert_element_type3A_677, %select_n3A_867 : vector<256x128xi1>, vector<256x128xf32>
    %jit3A_888 = arith.constant 0x7F800000 : f32
    %broadcast_in_dim3A_889 = vector.broadcast %jit3A_888 : f32 to vector<256x128xf32>
    %select_n3A_890 = arith.select %eq3A_883, %broadcast_in_dim3A_889, %select_n3A_870 : vector<256x128xi1>, vector<256x128xf32>
    %reduce_min3A_891 = arith.constant dense<0x7F800000> : vector<256xf32>
    %reduce_min3A_892 = vector.multi_reduction <minimumf>, %select_n3A_884, %reduce_min3A_891 [1] : vector<256x128xf32> to vector<256xf32>
    %broadcast_in_dim3A_893 = vector.shape_cast %reduce_min3A_892 : vector<256xf32> to vector<256x1xf32>
    %eq3A_894 = vector.broadcast %broadcast_in_dim3A_893 : vector<256x1xf32> to vector<256x128xf32>
    %eq3A_895 = arith.cmpf oeq, %select_n3A_884, %eq3A_894 : vector<256x128xf32>
    %jit3A_896 = arith.constant 4.096000e+03 : f32
    %broadcast_in_dim3A_897 = vector.broadcast %jit3A_896 : f32 to vector<256x128xf32>
    %select_n3A_898 = arith.select %eq3A_895, %select_n3A_885, %broadcast_in_dim3A_897 : vector<256x128xi1>, vector<256x128xf32>
    %reduce_min3A_899 = arith.constant dense<0x7F800000> : vector<256xf32>
    %reduce_min3A_900 = vector.multi_reduction <minimumf>, %select_n3A_898, %reduce_min3A_899 [1] : vector<256x128xf32> to vector<256xf32>
    %broadcast_in_dim3A_901 = vector.shape_cast %reduce_min3A_900 : vector<256xf32> to vector<256x1xf32>
    %eq3A_902 = vector.broadcast %broadcast_in_dim3A_901 : vector<256x1xf32> to vector<256x128xf32>
    %eq3A_903 = arith.cmpf oeq, %select_n3A_885, %eq3A_902 : vector<256x128xf32>
    %select_n3A_904 = arith.select %eq3A_903, %select_n3A_886, %select_n3A_884 : vector<256x128xi1>, vector<256x128xf32>
    %select_n3A_905 = arith.select %eq3A_903, %select_n3A_887, %select_n3A_885 : vector<256x128xi1>, vector<256x128xf32>
    %select_n3A_906 = arith.select %eq3A_903, %select_n3A_890, %select_n3A_886 : vector<256x128xi1>, vector<256x128xf32>
    %select_n3A_907 = arith.select %eq3A_903, %convert_element_type3A_677, %select_n3A_887 : vector<256x128xi1>, vector<256x128xf32>
    %jit3A_908 = arith.constant 0x7F800000 : f32
    %broadcast_in_dim3A_909 = vector.broadcast %jit3A_908 : f32 to vector<256x128xf32>
    %select_n3A_910 = arith.select %eq3A_903, %broadcast_in_dim3A_909, %select_n3A_890 : vector<256x128xi1>, vector<256x128xf32>
    %reduce_min3A_911 = arith.constant dense<0x7F800000> : vector<256xf32>
    %reduce_min3A_912 = vector.multi_reduction <minimumf>, %select_n3A_904, %reduce_min3A_911 [1] : vector<256x128xf32> to vector<256xf32>
    %broadcast_in_dim3A_913 = vector.shape_cast %reduce_min3A_912 : vector<256xf32> to vector<256x1xf32>
    %eq3A_914 = vector.broadcast %broadcast_in_dim3A_913 : vector<256x1xf32> to vector<256x128xf32>
    %eq3A_915 = arith.cmpf oeq, %select_n3A_904, %eq3A_914 : vector<256x128xf32>
    %jit3A_916 = arith.constant 4.096000e+03 : f32
    %broadcast_in_dim3A_917 = vector.broadcast %jit3A_916 : f32 to vector<256x128xf32>
    %select_n3A_918 = arith.select %eq3A_915, %select_n3A_905, %broadcast_in_dim3A_917 : vector<256x128xi1>, vector<256x128xf32>
    %reduce_min3A_919 = arith.constant dense<0x7F800000> : vector<256xf32>
    %reduce_min3A_920 = vector.multi_reduction <minimumf>, %select_n3A_918, %reduce_min3A_919 [1] : vector<256x128xf32> to vector<256xf32>
    %broadcast_in_dim3A_921 = vector.shape_cast %reduce_min3A_920 : vector<256xf32> to vector<256x1xf32>
    %eq3A_922 = vector.broadcast %broadcast_in_dim3A_921 : vector<256x1xf32> to vector<256x128xf32>
    %eq3A_923 = arith.cmpf oeq, %select_n3A_905, %eq3A_922 : vector<256x128xf32>
    %select_n3A_924 = arith.select %eq3A_923, %select_n3A_906, %select_n3A_904 : vector<256x128xi1>, vector<256x128xf32>
    %select_n3A_925 = arith.select %eq3A_923, %select_n3A_907, %select_n3A_905 : vector<256x128xi1>, vector<256x128xf32>
    %select_n3A_926 = arith.select %eq3A_923, %select_n3A_910, %select_n3A_906 : vector<256x128xi1>, vector<256x128xf32>
    %select_n3A_927 = arith.select %eq3A_923, %convert_element_type3A_677, %select_n3A_907 : vector<256x128xi1>, vector<256x128xf32>
    %jit3A_928 = arith.constant 0x7F800000 : f32
    %broadcast_in_dim3A_929 = vector.broadcast %jit3A_928 : f32 to vector<256x128xf32>
    %select_n3A_930 = arith.select %eq3A_923, %broadcast_in_dim3A_929, %select_n3A_910 : vector<256x128xi1>, vector<256x128xf32>
    %reduce_min3A_931 = arith.constant dense<0x7F800000> : vector<256xf32>
    %reduce_min3A_932 = vector.multi_reduction <minimumf>, %select_n3A_924, %reduce_min3A_931 [1] : vector<256x128xf32> to vector<256xf32>
    %broadcast_in_dim3A_933 = vector.shape_cast %reduce_min3A_932 : vector<256xf32> to vector<256x1xf32>
    %eq3A_934 = vector.broadcast %broadcast_in_dim3A_933 : vector<256x1xf32> to vector<256x128xf32>
    %eq3A_935 = arith.cmpf oeq, %select_n3A_924, %eq3A_934 : vector<256x128xf32>
    %jit3A_936 = arith.constant 4.096000e+03 : f32
    %broadcast_in_dim3A_937 = vector.broadcast %jit3A_936 : f32 to vector<256x128xf32>
    %select_n3A_938 = arith.select %eq3A_935, %select_n3A_925, %broadcast_in_dim3A_937 : vector<256x128xi1>, vector<256x128xf32>
    %reduce_min3A_939 = arith.constant dense<0x7F800000> : vector<256xf32>
    %reduce_min3A_940 = vector.multi_reduction <minimumf>, %select_n3A_938, %reduce_min3A_939 [1] : vector<256x128xf32> to vector<256xf32>
    %broadcast_in_dim3A_941 = vector.shape_cast %reduce_min3A_940 : vector<256xf32> to vector<256x1xf32>
    %eq3A_942 = vector.broadcast %broadcast_in_dim3A_941 : vector<256x1xf32> to vector<256x128xf32>
    %eq3A_943 = arith.cmpf oeq, %select_n3A_925, %eq3A_942 : vector<256x128xf32>
    %select_n3A_944 = arith.select %eq3A_943, %select_n3A_926, %select_n3A_924 : vector<256x128xi1>, vector<256x128xf32>
    %select_n3A_945 = arith.select %eq3A_943, %select_n3A_927, %select_n3A_925 : vector<256x128xi1>, vector<256x128xf32>
    %select_n3A_946 = arith.select %eq3A_943, %select_n3A_930, %select_n3A_926 : vector<256x128xi1>, vector<256x128xf32>
    %select_n3A_947 = arith.select %eq3A_943, %convert_element_type3A_677, %select_n3A_927 : vector<256x128xi1>, vector<256x128xf32>
    %jit3A_948 = arith.constant 0x7F800000 : f32
    %broadcast_in_dim3A_949 = vector.broadcast %jit3A_948 : f32 to vector<256x128xf32>
    %select_n3A_950 = arith.select %eq3A_943, %broadcast_in_dim3A_949, %select_n3A_930 : vector<256x128xi1>, vector<256x128xf32>
    %reduce_min3A_951 = arith.constant dense<0x7F800000> : vector<256xf32>
    %reduce_min3A_952 = vector.multi_reduction <minimumf>, %select_n3A_944, %reduce_min3A_951 [1] : vector<256x128xf32> to vector<256xf32>
    %broadcast_in_dim3A_953 = vector.shape_cast %reduce_min3A_952 : vector<256xf32> to vector<256x1xf32>
    %eq3A_954 = vector.broadcast %broadcast_in_dim3A_953 : vector<256x1xf32> to vector<256x128xf32>
    %eq3A_955 = arith.cmpf oeq, %select_n3A_944, %eq3A_954 : vector<256x128xf32>
    %jit3A_956 = arith.constant 4.096000e+03 : f32
    %broadcast_in_dim3A_957 = vector.broadcast %jit3A_956 : f32 to vector<256x128xf32>
    %select_n3A_958 = arith.select %eq3A_955, %select_n3A_945, %broadcast_in_dim3A_957 : vector<256x128xi1>, vector<256x128xf32>
    %reduce_min3A_959 = arith.constant dense<0x7F800000> : vector<256xf32>
    %reduce_min3A_960 = vector.multi_reduction <minimumf>, %select_n3A_958, %reduce_min3A_959 [1] : vector<256x128xf32> to vector<256xf32>
    %broadcast_in_dim3A_961 = vector.shape_cast %reduce_min3A_960 : vector<256xf32> to vector<256x1xf32>
    %eq3A_962 = vector.broadcast %broadcast_in_dim3A_961 : vector<256x1xf32> to vector<256x128xf32>
    %eq3A_963 = arith.cmpf oeq, %select_n3A_945, %eq3A_962 : vector<256x128xf32>
    %select_n3A_964 = arith.select %eq3A_963, %select_n3A_946, %select_n3A_944 : vector<256x128xi1>, vector<256x128xf32>
    %select_n3A_965 = arith.select %eq3A_963, %select_n3A_947, %select_n3A_945 : vector<256x128xi1>, vector<256x128xf32>
    %select_n3A_966 = arith.select %eq3A_963, %select_n3A_950, %select_n3A_946 : vector<256x128xi1>, vector<256x128xf32>
    %select_n3A_967 = arith.select %eq3A_963, %convert_element_type3A_677, %select_n3A_947 : vector<256x128xi1>, vector<256x128xf32>
    %reduce_min3A_968 = arith.constant dense<0x7F800000> : vector<256xf32>
    %reduce_min3A_969 = vector.multi_reduction <minimumf>, %select_n3A_964, %reduce_min3A_968 [1] : vector<256x128xf32> to vector<256xf32>
    %broadcast_in_dim3A_970 = vector.shape_cast %reduce_min3A_969 : vector<256xf32> to vector<256x1xf32>
    %eq3A_971 = vector.broadcast %broadcast_in_dim3A_970 : vector<256x1xf32> to vector<256x128xf32>
    %eq3A_972 = arith.cmpf oeq, %select_n3A_964, %eq3A_971 : vector<256x128xf32>
    %jit3A_973 = arith.constant 4.096000e+03 : f32
    %broadcast_in_dim3A_974 = vector.broadcast %jit3A_973 : f32 to vector<256x128xf32>
    %select_n3A_975 = arith.select %eq3A_972, %select_n3A_965, %broadcast_in_dim3A_974 : vector<256x128xi1>, vector<256x128xf32>
    %reduce_min3A_976 = arith.constant dense<0x7F800000> : vector<256xf32>
    %reduce_min3A_977 = vector.multi_reduction <minimumf>, %select_n3A_975, %reduce_min3A_976 [1] : vector<256x128xf32> to vector<256xf32>
    %broadcast_in_dim3A_978 = vector.shape_cast %reduce_min3A_977 : vector<256xf32> to vector<256x1xf32>
    %eq3A_979 = vector.broadcast %broadcast_in_dim3A_978 : vector<256x1xf32> to vector<256x128xf32>
    %eq3A_980 = arith.cmpf oeq, %select_n3A_965, %eq3A_979 : vector<256x128xf32>
    %select_n3A_981 = arith.select %eq3A_980, %select_n3A_966, %select_n3A_964 : vector<256x128xi1>, vector<256x128xf32>
    %select_n3A_982 = arith.select %eq3A_980, %select_n3A_967, %select_n3A_965 : vector<256x128xi1>, vector<256x128xf32>
    %reduce_min3A_983 = arith.constant dense<0x7F800000> : vector<256xf32>
    %reduce_min3A_984 = vector.multi_reduction <minimumf>, %select_n3A_981, %reduce_min3A_983 [1] : vector<256x128xf32> to vector<256xf32>
    %broadcast_in_dim3A_985 = vector.shape_cast %reduce_min3A_984 : vector<256xf32> to vector<256x1xf32>
    %eq3A_986 = vector.broadcast %broadcast_in_dim3A_985 : vector<256x1xf32> to vector<256x128xf32>
    %eq3A_987 = arith.cmpf oeq, %select_n3A_981, %eq3A_986 : vector<256x128xf32>
    %jit3A_988 = arith.constant 4.096000e+03 : f32
    %broadcast_in_dim3A_989 = vector.broadcast %jit3A_988 : f32 to vector<256x128xf32>
    %select_n3A_990 = arith.select %eq3A_987, %select_n3A_982, %broadcast_in_dim3A_989 : vector<256x128xi1>, vector<256x128xf32>
    %reduce_min3A_991 = arith.constant dense<0x7F800000> : vector<256xf32>
    %reduce_min3A_992 = vector.multi_reduction <minimumf>, %select_n3A_990, %reduce_min3A_991 [1] : vector<256x128xf32> to vector<256xf32>
    %broadcast_in_dim3A_993 = vector.shape_cast %reduce_min3A_992 : vector<256xf32> to vector<256x1xf32>
    %concatenate3A = tpu.concatenate %broadcast_in_dim3A_701, %broadcast_in_dim3A_721, %broadcast_in_dim3A_741, %broadcast_in_dim3A_761, %broadcast_in_dim3A_781, %broadcast_in_dim3A_801, %broadcast_in_dim3A_821, %broadcast_in_dim3A_841, %broadcast_in_dim3A_861, %broadcast_in_dim3A_881, %broadcast_in_dim3A_901, %broadcast_in_dim3A_921, %broadcast_in_dim3A_941, %broadcast_in_dim3A_961, %broadcast_in_dim3A_978, %broadcast_in_dim3A_993 in 1 : vector<256x1xf32>, vector<256x1xf32>, vector<256x1xf32>, vector<256x1xf32>, vector<256x1xf32>, vector<256x1xf32>, vector<256x1xf32>, vector<256x1xf32>, vector<256x1xf32>, vector<256x1xf32>, vector<256x1xf32>, vector<256x1xf32>, vector<256x1xf32>, vector<256x1xf32>, vector<256x1xf32>, vector<256x1xf32> -> vector<256x16xf32>
    %convert_element_type3A_994 = arith.fptosi %concatenate3A : vector<256x16xf32> to vector<256x16xi32>
    %mul3A_995 = arith.constant 4096 : i32
    %mul3A_996 = arith.muli %arg0, %mul3A_995 : i32
    %add3A_997 = vector.broadcast %mul3A_996 : i32 to vector<256x16xi32>
    %add3A_998 = arith.addi %convert_element_type3A_994, %add3A_997 : vector<256x16xi32>
    %swap3A = arith.constant 0 : index
    %swap3A_999 = arith.constant 0 : index
    %swap3A_1000 = arith.constant 0 : index
    %swap3A_1001 = vector.load %arg7[%swap3A, %swap3A_999, %swap3A_1000] : memref<1x256x16xi32, #tpu.memory_space<vmem>>, vector<1x256x16xi32>
    %swap3A_1002 = vector.shape_cast %swap3A_1001 : vector<1x256x16xi32> to vector<256x16xi32>
    %swap3A_1003 = vector.shape_cast %add3A_998 : vector<256x16xi32> to vector<1x256x16xi32>
    tpu.vector_store %arg7[%swap3A, %swap3A_999, %swap3A_1000], %swap3A_1003 {strides = array<i32>} : memref<1x256x16xi32, #tpu.memory_space<vmem>>, vector<1x256x16xi32>,
    %get3A_1004 = arith.constant 0 : index
    %get3A_1005 = arith.constant 0 : index
    %get3A_1006 = vector.load %arg4[%get3A_1004, %get3A_1005] : memref<128x128xf32, #tpu.memory_space<vmem>>, vector<128x128xf32>
    %dot_general3A_1007 = arith.constant dense<0.000000e+00> : vector<256x128xf32>
    %dot_general3A_1008 = tpu.matmul %get3A_3, %get3A_1006, %dot_general3A_1007 {dimension_numbers = #tpu.dot_dimension_numbers<[1], [0], [0], [1], [0, 0, 1, 1], [], []>, transpose_lhs_hint = false} : vector<256x128xf32>, vector<128x128xf32>, vector<256x128xf32> -> vector<256x128xf32>
    %swap3A_1009 = arith.constant 0 : index
    %swap3A_1010 = arith.constant 0 : index
    %swap3A_1011 = arith.constant 0 : index
    %swap3A_1012 = vector.load %arg8[%swap3A_1009, %swap3A_1010, %swap3A_1011] : memref<1x256x128xf32, #tpu.memory_space<vmem>>, vector<1x256x128xf32>
    %swap3A_1013 = vector.shape_cast %swap3A_1012 : vector<1x256x128xf32> to vector<256x128xf32>
    %swap3A_1014 = vector.shape_cast %dot_general3A_1008 : vector<256x128xf32> to vector<1x256x128xf32>
    tpu.vector_store %arg8[%swap3A_1009, %swap3A_1010, %swap3A_1011], %swap3A_1014 {strides = array<i32>} : memref<1x256x128xf32, #tpu.memory_space<vmem>>, vector<1x256x128xf32>,
    %get3A_1015 = arith.constant 0 : index
    %get3A_1016 = arith.constant 0 : index
    %get3A_1017 = vector.load %arg5[%get3A_1015, %get3A_1016] : memref<128x128xf32, #tpu.memory_space<vmem>>, vector<128x128xf32>
    %dot_general3A_1018 = arith.constant dense<0.000000e+00> : vector<256x128xf32>
    %dot_general3A_1019 = tpu.matmul %get3A_3, %get3A_1017, %dot_general3A_1018 {dimension_numbers = #tpu.dot_dimension_numbers<[1], [0], [0], [1], [0, 0, 1, 1], [], []>, transpose_lhs_hint = false} : vector<256x128xf32>, vector<128x128xf32>, vector<256x128xf32> -> vector<256x128xf32>
    %get3A_1020 = arith.constant 0 : index
    %get3A_1021 = arith.constant 0 : index
    %get3A_1022 = vector.load %arg6[%get3A_1020, %get3A_1021] : memref<8x128xf32, #tpu.memory_space<vmem>>, vector<1x128xf32>
    %add3A_1023 = vector.broadcast %get3A_1022 : vector<1x128xf32> to vector<256x128xf32>
    %add3A_1024 = arith.addf %dot_general3A_1019, %add3A_1023 : vector<256x128xf32>
    %swap3A_1025 = arith.constant 0 : index
    %swap3A_1026 = arith.constant 0 : index
    %swap3A_1027 = arith.constant 0 : index
    %swap3A_1028 = vector.load %arg9[%swap3A_1025, %swap3A_1026, %swap3A_1027] : memref<1x256x128xf32, #tpu.memory_space<vmem>>, vector<1x256x128xf32>
    %swap3A_1029 = vector.shape_cast %swap3A_1028 : vector<1x256x128xf32> to vector<256x128xf32>
    %swap3A_1030 = vector.shape_cast %add3A_1024 : vector<256x128xf32> to vector<1x256x128xf32>
    tpu.vector_store %arg9[%swap3A_1025, %swap3A_1026, %swap3A_1027], %swap3A_1030 {strides = array<i32>} : memref<1x256x128xf32, #tpu.memory_space<vmem>>, vector<1x256x128xf32>,
    return
  }
  func.func @transform_0(%arg0: i32, %arg1: i32) -> (i32, i32, i32) {
    %c0_i32 = arith.constant 0 : i32
    %c0_i32_0 = arith.constant 0 : i32
    return %arg0, %arg1, %c0_i32 : i32, i32, i32
  }
  func.func @transform_1(%arg0: i32, %arg1: i32) -> (i32, i32, i32) {
    %c0_i32 = arith.constant 0 : i32
    %c0_i32_0 = arith.constant 0 : i32
    %c0_i32_1 = arith.constant 0 : i32
    return %arg0, %c0_i32, %c0_i32_0 : i32, i32, i32
  }
  func.func @transform_2(%arg0: i32, %arg1: i32) -> (i32, i32) {
    %c0_i32 = arith.constant 0 : i32
    %c0_i32_0 = arith.constant 0 : i32
    %c0_i32_1 = arith.constant 0 : i32
    return %c0_i32, %c0_i32_0 : i32, i32
  }
  func.func @transform_3(%arg0: i32, %arg1: i32) -> (i32, i32) {
    %c0_i32 = arith.constant 0 : i32
    %c0_i32_0 = arith.constant 0 : i32
    %c0_i32_1 = arith.constant 0 : i32
    return %c0_i32, %c0_i32_0 : i32, i32
  }
  func.func @transform_4(%arg0: i32, %arg1: i32) -> (i32, i32) {
    %c0_i32 = arith.constant 0 : i32
    %c0_i32_0 = arith.constant 0 : i32
    %c0_i32_1 = arith.constant 0 : i32
    return %c0_i32, %c0_i32_0 : i32, i32
  }
  func.func @transform_5(%arg0: i32, %arg1: i32) -> (i32, i32, i32) {
    %c0_i32 = arith.constant 0 : i32
    %c0_i32_0 = arith.constant 0 : i32
    return %arg0, %arg1, %c0_i32 : i32, i32, i32
  }
  func.func @transform_6(%arg0: i32, %arg1: i32) -> (i32, i32, i32) {
    %c0_i32 = arith.constant 0 : i32
    %c0_i32_0 = arith.constant 0 : i32
    return %arg0, %arg1, %c0_i32 : i32, i32, i32
  }
  func.func @transform_7(%arg0: i32, %arg1: i32) -> (i32, i32, i32) {
    %c0_i32 = arith.constant 0 : i32
    %c0_i32_0 = arith.constant 0 : i32
    return %arg0, %arg1, %c0_i32 : i32, i32, i32
  }
}

</mosaic_0001>

<sc_bundles>
// kernel: kernel.5.cloned.1.call-start
scs
__scs_entry_jumppad:
0x0: {  	(pc) =	sbr.rel $0x88, $3  }
0x1: {  	(tag) =	ssettag $0x0;
	lr =	simm.s32 $0x1  }
0x2: {  	[smem:$0x3F9A] =	sst lr;
	_ =	strace $0xD0000000  }
0x3: {  	_ = 	snop  }
0x4: {  	_ = 	snop  }
0x5: {  	_ = 	snop  }
0x6: {  	_ = 	snop  }
0x7: {  	_ = 	snop  }
__scs_overlays_trampoline_lowered:
0x8: {  	[smem:$0x3FA9] =	sst s0  }
0x9: {  	[smem:$0x3FAA] =	sst s1  }
0xa: {  	[smem:$0x3FAB] =	sst s2  }
0xb: {  	[smem:$0x3FAC] =	sst s3  }
0xc: {  	[smem:$0x3FAD] =	sst s4  }
0xd: {  	[smem:$0x3FAE] =	sst s5  }
0xe: {  	[smem:$0x3FAF] =	sst s6  }
0xf: {  	[smem:$0x3FB0] =	sst s7  }
0x10: {  	[smem:$0x3FB1] =	sst s8  }
0x11: {  	[smem:$0x3FB2] =	sst s9;
	s0 =	simm.s32 @!p0 $0x0  }
0x12: {  	s1 =	sld [smem:$0x3F98];
	s0 =	simm.s32 @p0 $0x1  }
0x13: {  	[smem:$0x3FB3] =	sst s0;
	s0 =	simm.s32 @!p1 $0x0  }
0x14: {  	s2 =	sld [smem:$0x3F97];
	s0 =	simm.s32 @p1 $0x1  }
0x15: {  	[smem:$0x3FB4] =	sst s0;
	s0 =	simm.s32 @!p2 $0x0  }
0x16: {  	s3 =	sld [smem:$0x3FDB];
	s0 =	simm.s32 @p2 $0x1  }
0x17: {  	s4 =	simm.s32 $0x1BF5;
	[smem:$0x3FB6] =	sst s0  }
0x18: {  	s0 =	sld [smem:$0x3F99];
	_ =	swait.ge [sflag:s4], $0x0  }
0x19: {  	s7 =	sld [smem:$0x3F9A]  }
0x1a: {  	s8 =	sadd.s32 $0xFFFFE003, lr  }
0x1b: {  	s9 =	sadd.s32 $0xFFFFFEF7, lr;
	s5 =	simm.s32 $0xFFFFFFFF;
	p2 =	slt.u32 s8, $0xFFFFF086  }
0x1c: {  	p1 =	slt.u32 s9, $0xF7A;
	s5 =	simm.s32 @!p2 $0x0  }
0x1d: {  	s5 =	simm.s32 @p1 $0x1;
	p0 =	seq.s32 s7, s2  }
0x1e: {  	s7 =	smul.u32 @!p0 $0xF7A, s2;
	p2 =	seq.s32 @!p0 s5, $0x0  }
0x1f: {  	s9 =	smul.u32 $0xF7A, s1;
	s8 =	simm.s32 @!p0 $0x1BF5;
	p2 =	por !p2, p0  }
0x20: {  	[sflag:s8] =	ssyncset.s32 @!p0 $0xFFFFF086;
	s6 =	sadd.s32 @!p0 s3, s7;
	s7 =	simm.s32 @!p0 $0x108  }
0x21: {  	s3 =	sadd.s32 s3, s9;
	s6 =	sadd.s32 @!p0 $0x88, s6;
	s7 =	simm.s32 @p2 $0x1082  }
0x22: {  	[simem:s7], [sflag:s8] =	dma.local @!p0 [hbm:s6], $0xF7A  }
0x23: {  	s9 =	sor.u32 $0xD0000000, s2;
	s6 =	simm.s32 $0x108;
	_ =	swait.ge @!p0 [sflag:s8], $0x0  }
0x24: {  	s3 =	sadd.s32 $0x88, s3;
	s6 =	simm.s32 @!p1 $0x1082;
	[sflag:s4] =	ssyncset.s32 $0xFFFFF086  }
0x25: {  	[simem:s6], [sflag:s4] =	dma.local [hbm:s3], $0xF7A  }
0x26: {  	[smem:$0x3F9A] =	sst s1;
	(tag) =	ssettag s2;
	_ =	strace s9  }
0x27: {  	s1 =	sld [smem:$0x3FAA]  }
0x28: {  	s2 =	sld [smem:$0x3FAB]  }
0x29: {  	s4 =	sld [smem:$0x3FAD]  }
0x2a: {  	p0 =	seq.s32 s5, $0x0;
	s5 =	sld [smem:$0x3FAE]  }
0x2b: {  	s6 =	sld [smem:$0x3FAF]  }
0x2c: {  	s7 =	sld [smem:$0x3FB0]  }
0x2d: {  	s3 =	simm.s32 $0x108;
	s8 =	sld [smem:$0x3FB1]  }
0x2e: {  	s3 =	simm.s32 @!p0 $0x1082;
	s9 =	sld [smem:$0x3FB2]  }
0x2f: {  	lr =	sadd.s32 s0, s3;
	s0 =	sld [smem:$0x3FA9]  }
0x30: {  	s3 =	sld [smem:$0x3FAC]  }
0x31: {  	[smem:$0x3FB5] =	sst s10  }
0x32: {  	s10 =	sld [smem:$0x3FB3];
	_ =	sdelay $0x3  }
0x33: {  	p0 =	seq.s32 s10, $0x1;
	s10 =	sld [smem:$0x3FB5];
	_ =	sdelay $0x3  }
0x34: {  	[smem:$0x3FB5] =	sst s10  }
0x35: {  	s10 =	sld [smem:$0x3FB4];
	_ =	sdelay $0x3  }
0x36: {  	p1 =	seq.s32 s10, $0x1;
	s10 =	sld [smem:$0x3FB5];
	_ =	sdelay $0x3  }
0x37: {  	[smem:$0x3FB5] =	sst s10  }
0x38: {  	s10 =	sld [smem:$0x3FB6]  }
0x39: {  	_ = 	snop;
	(pc) =	sbr.ind lr, $3  }
0x3a: {  	_ = 	snop  }
0x3b: {  	_ = 	snop  }
0x3c: {  	p2 =	seq.s32 s10, $0x1;
	s10 =	sld [smem:$0x3FB5]  }
0x3d: {  	_ =	shalt  }
0x3e: {  	_ =	shalt  }
0x3f: {  	_ =	shalt  }
0x40: {  	_ =	shalt  }
0x41: {  	_ =	shalt  }
0x42: {  	_ =	shalt  }
0x43: {  	_ =	shalt  }
0x44: {  	_ =	shalt  }
0x45: {  	_ =	shalt  }
0x46: {  	_ =	shalt  }
0x47: {  	_ =	shalt  }
0x48: {  	_ =	shalt  }
0x49: {  	_ =	shalt  }
0x4a: {  	_ =	shalt  }
0x4b: {  	_ =	shalt  }
0x4c: {  	_ =	shalt  }
0x4d: {  	_ =	shalt  }
0x4e: {  	_ =	shalt  }
0x4f: {  	_ =	shalt  }
0x50: {  	_ =	shalt  }
0x51: {  	_ =	shalt  }
0x52: {  	_ =	shalt  }
0x53: {  	_ =	shalt  }
0x54: {  	_ =	shalt  }
0x55: {  	_ =	shalt  }
0x56: {  	_ =	shalt  }
0x57: {  	_ =	shalt  }
0x58: {  	_ =	shalt  }
0x59: {  	_ =	shalt  }
0x5a: {  	_ =	shalt  }
0x5b: {  	_ =	shalt  }
0x5c: {  	_ =	shalt  }
0x5d: {  	_ =	shalt  }
0x5e: {  	_ =	shalt  }
0x5f: {  	_ =	shalt  }
0x60: {  	_ =	shalt  }
0x61: {  	_ =	shalt  }
0x62: {  	_ =	shalt  }
0x63: {  	_ =	shalt  }
0x64: {  	_ =	shalt  }
0x65: {  	_ =	shalt  }
0x66: {  	_ =	shalt  }
0x67: {  	_ =	shalt  }
0x68: {  	_ =	shalt  }
0x69: {  	_ =	shalt  }
0x6a: {  	_ =	shalt  }
0x6b: {  	_ =	shalt  }
0x6c: {  	_ =	shalt  }
0x6d: {  	_ =	shalt  }
0x6e: {  	_ =	shalt  }
0x6f: {  	_ =	shalt  }
0x70: {  	_ =	shalt  }
0x71: {  	_ =	shalt  }
0x72: {  	_ =	shalt  }
0x73: {  	_ =	shalt  }
0x74: {  	_ =	shalt  }
0x75: {  	_ =	shalt  }
0x76: {  	_ =	shalt  }
0x77: {  	_ =	shalt  }
0x78: {  	_ =	shalt  }
0x79: {  	_ =	shalt  }
0x7a: {  	_ =	shalt  }
0x7b: {  	_ =	shalt  }
0x7c: {  	_ =	shalt  }
0x7d: {  	_ =	shalt  }
0x7e: {  	_ =	shalt  }
0x7f: {  	_ =	shalt  }
0x80: {  	_ =	shalt  }
0x81: {  	_ =	shalt  }
0x82: {  	_ =	shalt  }
0x83: {  	_ =	shalt  }
0x84: {  	_ =	shalt  }
0x85: {  	_ =	shalt  }
0x86: {  	_ =	shalt  }
0x87: {  	_ =	shalt  }
.Lfunc_end0:
.L_simem_size_0:
called_computation_lowered:
.L_overlay_start_0:
0x88: {  	s2 =	sld [smem:$0x3FD9]  }
0x89: {  	s3 =	sld [smem:$0x3FFE];
	_ =	sdelay $0x1  }
0x8a: {  	s1 =	srdreg.scid  }
0x8b: {  	s0 =	sand.u32 $0x1, s1  }
0x8c: {  	s16 =	sshll.u32 s0, $0xA;
	s2 =	sadd.s32 s3, s2  }
0x8d: {  	s2 =	sadd.s32 s2, s16  }
0x8e: {  	[smem:$0x3FC1] =	sst s2  }
0x8f: {  	_ = 	snop  }
0x90: {  	(tm) =	ssettm $0x1  }
0x91: {  	s17 =	sld [smem:$0x3FFB];
	_ =	sdelay $0x3  }
0x92: {  	_ =	strace s17  }
0x93: {  	s2 =	sld [smem:$0x3FFC];
	_ =	sdelay $0x3  }
0x94: {  	_ =	strace s2  }
0x95: {  	s2 =	sld [smem:$0x3FFD];
	_ =	sdelay $0x3  }
0x96: {  	_ =	strace s2  }
0x97: {  	_ =	strace $0x8FFFFFFF  }
0x98: {  	s18 =	sld [smem:$0x3FDB];
	_ =	sdelay $0x1  }
0x99: {  	s19 =	simm.s32 $_scs_section_size  }
0x9a: {  	s4 =	simm.s32 $_size__tile_overlayer_lowered;
	s5 =	simm.s32 $_tile_overlayer_lowered  }
0x9b: {  	s22 =	simm.s32 $0x1BFF;
	s21 =	sshll.u32 s5, $0x1;
	s2 =	sadd.s32 s19, s18  }
0x9c: {  	s6 =	simm.s32 $0x0;
	s20 =	sshll.u32 s4, $0x1;
	s4 =	sadd.s32 s21, s2  }
0x9d: {  	[timem:s6], [sflag:s22] =	dma.local [hbm:s4], s20  }
0x9e: {  	_ =	swait.ge [sflag:s22], s20  }
0x9f: {  	s3 =	ssub.s32 $0x0, s20;
	[sflag:s22] =	ssyncset.done $0x0  }
0xa0: {  	[sflag:s22] =	ssyncadd.s32 s3;
	_ =	sdelay $0x1  }
0xa1: {  	s23 =	simm.s32 $0x1B8B  }
0xa2: {  	_ =	swait.ge [sflag:s23], $0x1  }
0xa3: {  	[sflag:s23] =	ssyncset.done $0x0  }
0xa4: {  	s25 =	simm.s32 $0x1B8E;
	s24 =	sld [smem:$0x3FFE];
	[sflag:s23] =	ssyncadd.s32 $0xFFFFFFFF  }
0xa5: {  	s26 =	simm.s32 $execute0_lowered;
	[smem:$0x3FD2] =	sst s25  }
0xa6: {  	s4 =	sshll.u32 s26, $0x1;
	_ =	strace $0x80000046;
	[dreg:$0x1] =	wrdreg $0xFFFFFFFF  }
0xa7: {  	s28 =	simm.s32 $_size_execute0_lowered;
	s2 =	sadd.s32 s2, s4;
	[dreg:$0x0] =	wrdreg $0x0  }
0xa8: {  	s4 =	sshll.u32 s28, $0x1;
	[dreg:$0x2] =	wrdreg s2  }
0xa9: {  	[dreg:$0x3] =	wrdreg s4  }
0xaa: {  	[dreg:$0x4] =	wrdreg $0xC0  }
0xab: {  	_ =	task [dreg:s6], $0x5FFFF  }
0xac: {  	[dreg:$0x1] =	wrdreg $0xFFFFFFFF  }
0xad: {  	[dreg:$0x0] =	wrdreg $0x60  }
0xae: {  	[dreg:$0x2] =	wrdreg s24  }
0xaf: {  	[dreg:$0x3] =	wrdreg $0x9  }
0xb0: {  	_ =	task.clear_ibuf [dreg:s6], $0x4FFFF;
	_ =	strace $0x90000046  }
0xb1: {  	s29 =	simm.s32 $0x9;
	_ =	strace $0x80000048  }
0xb2: {  	_ =	swait.ge [sflag:s29], $0x1  }
0xb3: {  	[sflag:s29] =	ssyncadd.s32 $0xFFFFFFFF  }
0xb4: {  	_ =	strace $0x90000048  }
0xb5: {  	_ =	sfence  }
0xb6: {  	s30 =	sld [smem:$0x0];
	_ =	sdelay $0x2  }
0xb7: {  	s31 =	sshll.u32 s1, $0xD;
	s1 =	sshrl.u32 s1, $0x2  }
0xb8: {  	s3 =	sand.u32 $0x4000, s31;
	s1 =	sadd.s32 s1, s30  }
0xb9: {  	s0 =	sor.u32 s3, s0;
	s1 =	sshll.u32 s1, $0x11  }
0xba: {  	s0 =	sor.u32 s1, s0  }
0xbb: {  	s0 =	sadd.s32 $0x8F2B, s0  }
0xbc: {  	[sflag:s0] =	ssyncadd.remote.s32 $0x1  }
0xbd: {  	_ =	sfence.sel $0xFFFF  }
0xbe: {  	[dreg:$0x0] =	wrdreg $0xFFFFFFFF;
	(pc) =	sbr.abs _section_cstart, $3  }
0xbf: {  	[dreg:$0x1] =	wrdreg $0xFFFFFFFF  }
0xc0: {  	_ =	task.clear_ibuf [dreg:s6], $0x2FFFF;
	_ =	strace $0x9FFFFFFF  }
0xc1: {  	(tm) =	ssettm $0x7FFFFFFF  }
tec
execute0_lowered:
.L_overlay_start_1:
0x0: {  	(tag) =	ssettag $0x1  }
0x1: {  	s4 =	rddreg [dreg:$0x0];
	s2 =	srdreg.scid  }
0x2: {  	s0 =	rddreg [dreg:$0x1];
	s1 =	stileid.u32  }
0x3: {  	s9 =	simm.s32 $0x2000;
	s10 =	simm.s32 $0x6000;
	s11 =	simm.s32 $0x100  }
0x4: {  	s12 =	simm.s32 $0xA000;
	s13 =	simm.s32 $0x0;
	s5 =	sand.u32 $0x1, s2  }
0x5: {  	s2 =	simm.s32 $0x0;
	s3 =	sshll.u32 s1, $0xE;
	s7 =	sshll.u32 s1, $0x12  }
0x6: {  	s6 =	sshll.u32 s5, $0xD;
	[smem:$0x7FF] =	sst s2;
	s8 =	ssub.s32 $0x2, s5  }
0x7: {  	s7 =	sadd.s32 s7, s4;
	s5 =	sshll.u32 s5, $0x11;
	s6 =	sor.u32 s6, s3  }
0x8: {  	_ =	strace $0x80000047;
	s3 =	sadd.s32 $0x1400, s4;
	s30 =	sshrl.u32 s8, $0x1  }
0x9: {  	s31 =	sadd.s32 s5, s7;
	s6 =	sshrl.u32 s6, $0x3;
	s8 =	ssub.s32 s8, s30  }
0xa: {  	s7 =	simm.s32 $0x5;
	s6 =	sadd.s32 s6, s4;
	s5 =	smax.u32 s8, $0x1  }
0xb: {  	s8 =	simm.s32 $0x80;
	s4 =	sadd.s32 $0x41400, s6;
	s6 =	sadd.s32 $0x49400, s31  }
.LBB2_1:
0xc: {  	[tilespmem:s2], [sflag:$0x5] =	stream.linear.gather [hbm4b:s4+s2], $0x2000, $0x38;
	[tilespmem:$0x12000] =	vst v63  }
0xd: {  	_ =	swait.ge [sflag:s7], $0x2000  }
0xe: {  	[sflag:s7] =	ssyncset.done $0x0  }
0xf: {  	[sflag:s7] =	ssyncadd.s32 $0xFFFFE000  }
0x10: {  	[tilespmem:s9], [sflag:$0x1] =	stream.indirect.gather [hbm4b:s3+s8], $0x80, s2, s8, $0xb8;
	[tilespmem:$0x12000] =	vst v63  }
0x11: {  	_ = 	snop  }
0x12: {  	[tilespmem:s10], [sflag:$0x2] =	stream.indirect.gather [hbm4b:s3+s8], $0x80, s8, s8, $0xb8;
	[tilespmem:$0x12000] =	vst v63  }
0x13: {  	s14 =	simm.s32 $0x180;
	s15 =	smov.u32 s6;
	s16 =	simm.s32 $0x0  }
0x14: {  	[tilespmem:s12], [sflag:$0x3] =	stream.indirect.gather [hbm4b:s3+s8], $0x80, s11, s8, $0xb8;
	[tilespmem:$0x12000] =	vst v63  }
.LBB2_2:
0x15: {  	s17 =	sand.u32 $0x3, s16  }
0x16: {  	p0 =	sgt.s32 s17, $0x1  }
0x17: {  	p2 =	seq.s32 @p0 s17, $0x2  }
0x18: {  	p1 =	por !p2, !p0  }
0x19: {  	p3 =	sgt.u32 @!p1 s16, $0x3C;
	s18 =	simm.s32 @!p1 $0x3  }
0x1a: {  	_ =	swait.ge @!p1 [sflag:s18], $0x4000;
	p3 =	por @p0 p3, !p2  }
0x1b: {  	[sflag:s18] =	ssyncset.done @!p1 $0x0;
	p3 =	por p3, !p0  }
0x1c: {  	[sflag:s18] =	ssyncadd.s32 @!p1 $0xFFFFC000;
	s18 =	simm.s32 @!p3 $0x80;
	s19 =	simm.s32 @!p3 $0x6000  }
0x1d: {  	[tilespmem:s19], [sflag:$0x2] =	stream.indirect.gather @!p3 [hbm4b:s3+s18], $0x80, s14, s18, $0xb8;
	[tilespmem:$0x12000] =	vst v63  }
0x1e: {  	s18 =	simm.s32 @!p1 $0x0;
	s19 =	simm.s32 @!p1 $0xA000;
	p3 =	por p2, !p0  }
0x1f: {  	[hbm4b:s15+s18] =	stream.linear.scatter @!p1 [tilespmem:s19], [sflag:$0x6], $0x4000, $0x38;
	[tilespmem:$0x12000] =	vst v63  }
0x20: {  	p4 =	sgt.u32 @!p3 s16, $0x3C;
	s18 =	simm.s32 @!p3 $0x4  }
0x21: {  	p2 =	por @p0 p4, p2;
	_ =	swait.ge @!p3 [sflag:s18], $0x4000  }
0x22: {  	p2 =	por p2, !p0;
	[sflag:s18] =	ssyncset.done @!p3 $0x0  }
0x23: {  	s19 =	simm.s32 @!p2 $0xA000;
	[sflag:s18] =	ssyncadd.s32 @!p3 $0xFFFFC000;
	s18 =	simm.s32 @!p2 $0x80  }
0x24: {  	[tilespmem:s19], [sflag:$0x3] =	stream.indirect.gather @!p2 [hbm4b:s3+s18], $0x80, s14, s18, $0xb8;
	[tilespmem:$0x12000] =	vst v63  }
0x25: {  	s18 =	simm.s32 @!p3 $0x0;
	s19 =	simm.s32 @!p3 $0xE000  }
0x26: {  	[hbm4b:s15+s18] =	stream.linear.scatter @!p3 [tilespmem:s19], [sflag:$0x5], $0x4000, $0x38;
	[tilespmem:$0x12000] =	vst v63  }
0x27: {  	p3 =	seq.s32 @!p0 s17, $0x0  }
0x28: {  	p2 =	por !p3, p0  }
0x29: {  	p4 =	sgt.u32 @!p2 s16, $0x3C;
	s17 =	simm.s32 @!p2 $0x1  }
0x2a: {  	_ =	swait.ge @!p2 [sflag:s17], $0x4000;
	p4 =	por @!p0 p4, !p3  }
0x2b: {  	[sflag:s17] =	ssyncset.done @!p2 $0x0;
	p4 =	por p4, p0  }
0x2c: {  	[sflag:s17] =	ssyncadd.s32 @!p2 $0xFFFFC000;
	s17 =	simm.s32 @!p4 $0x80;
	s18 =	simm.s32 @!p4 $0xE000  }
0x2d: {  	[tilespmem:s18], [sflag:$0x4] =	stream.indirect.gather @!p4 [hbm4b:s3+s17], $0x80, s14, s17, $0xb8;
	[tilespmem:$0x12000] =	vst v63  }
0x2e: {  	s17 =	simm.s32 @!p2 $0x0;
	s18 =	simm.s32 @!p2 $0x2000;
	p4 =	por p3, p0  }
0x2f: {  	[hbm4b:s15+s17] =	stream.linear.scatter @!p2 [tilespmem:s18], [sflag:$0x6], $0x4000, $0x38;
	[tilespmem:$0x12000] =	vst v63  }
0x30: {  	p5 =	sgt.u32 @!p4 s16, $0x3C;
	s17 =	simm.s32 @!p4 $0x2  }
0x31: {  	p3 =	por @!p0 p5, p3;
	_ =	swait.ge @!p4 [sflag:s17], $0x4000  }
0x32: {  	p3 =	por p3, p0;
	[sflag:s17] =	ssyncset.done @!p4 $0x0  }
0x33: {  	s19 =	simm.s32 @!p3 $0x2000;
	[sflag:s17] =	ssyncadd.s32 @!p4 $0xFFFFC000;
	s17 =	simm.s32 @!p3 $0x80  }
0x34: {  	[tilespmem:s19], [sflag:$0x1] =	stream.indirect.gather @!p3 [hbm4b:s3+s17], $0x80, s14, s17, $0xb8;
	[tilespmem:$0x12000] =	vst v63  }
0x35: {  	s18 =	simm.s32 @!p1 $0x6;
	s17 =	simm.s32 @!p2 $0x6  }
0x36: {  	s16 =	sadd.s32 $0x1, s16;
	s18 =	simm.s32 @p1 $0x5;
	s17 =	simm.s32 @p2 $0x6  }
0x37: {  	s17 =	smov.u32 @p0 s18;
	p0 =	sne.s32 s16, $0x40  }
.Ltmp0:
0x38: {  	s20 =	simm.s32 @!p4 $0x6000;
	s19 =	simm.s32 @!p4 $0x0;
	(pc) =	sbr.rel @p0 .LBB2_2-.Ltmp0, $4  }
0x39: {  	[hbm4b:s15+s19] =	stream.linear.scatter @!p4 [tilespmem:s20], [sflag:$0x6], $0x4000, $0x38;
	[tilespmem:$0x12000] =	vst v63  }
0x3a: {  	_ =	swait.ge [sflag:s17], $0x4000  }
0x3b: {  	[sflag:s17] =	ssyncset.done $0x0  }
0x3c: {  	s14 =	sadd.s32 $0x80, s14;
	s15 =	sadd.s32 $0x800, s15;
	[sflag:s17] =	ssyncadd.s32 $0xFFFFC000  }
0x3d: {  	s13 =	sadd.s32 $0x1, s13  }
0x3e: {  	p0 =	sne.s32 s13, s5  }
.Ltmp1:
0x3f: {  	_ = 	snop;
	(pc) =	sbr.rel @p0 .LBB2_1-.Ltmp1, $1  }
0x40: {  	_ =	sdelay $0x3  }
0x41: {  	_ =	sfence.sel $0x180000  }
0x42: {  	[bflag:$0x0] =	sbarrier.arrive $0xFFFF  }
0x43: {  	p0 =	sne.s32 s1, $0x0;
	_ =	strace $0x90000047  }
0x44: {  	s0 =	sadd.s32 @!p0 $0x100000, s0;
	[bflag:$0x2] =	sbarrier.arrive $0xFFFF  }
0x45: {  	[sflag:s0] =	ssyncadd.tile.s32 @!p0 $0x1;
	_ =	shalt  }
.Lfunc_end2:
_tile_overlayer_lowered:
.L_overlay_start_2:
0x46: {  	(tag) =	ssettag $0x2  }
0x47: {  	s0 =	rddreg [dreg:$0x0];
	s2 =	stileid.u32  }
0x48: {  	s1 =	rddreg [dreg:$0x1];
	p0 =	sne.s32 s2, $0x0  }
0x49: {  	s3 =	rddreg [dreg:$0x2];
	[bflag:$0x3] =	sbarrier.arrive $0xFFFF;
	s2 =	simm.s32 @!p0 $0x1C05  }
0x4a: {  	[timem:s3], [sflag:s2] =	dma.local @!p0 [hbm:s0], s1  }
0x4b: {  	s0 =	simm.s32 @!p0 $0x5  }
0x4c: {  	_ =	swait.ge @!p0 [sflag:s0], s1  }
0x4d: {  	s1 =	ssub.s32 @!p0 $0x0, s1;
	[sflag:s0] =	ssyncset.done @!p0 $0x0  }
0x4e: {  	[sflag:s0] =	ssyncadd.s32 @!p0 s1  }
0x4f: {  	[bflag:$0x3] =	sbarrier.arrive $0xFFFF  }
0x50: {  	_ =	shalt  }

</sc_bundles>
